<compile_context>
chip_gen: v7x
topology: tpu7x:2x2x1
jax: 0.10.2.dev20260603
libtpu: 0.0.44.dev20260713+nightly
codegen_flags: <defaults>
</compile_context>

<pallas_src>
import functools

import jax
import jax.numpy as jnp
from jax import lax
from jax.experimental import pallas as pl
from jax.experimental.pallas import tpu as pltpu
from jax.experimental.pallas import tpu_sc as plsc

NC = 2
NS = 16
NW = NC * NS
LANE = 128


def _node_gather_kernel(u_pad, i_pad, node_pad):
    mesh = plsc.VectorSubcoreMesh(core_axis_name="c", subcore_axis_name="s",
                                  num_cores=NC, num_subcores=NS)
    n_user_chunks = u_pad // LANE
    n_item_chunks = i_pad // LANE

    @functools.partial(
        pl.kernel,
        out_type=jax.ShapeDtypeStruct((node_pad, 128), jnp.float32),
        mesh=mesh,
        scratch_types=[
            pltpu.VMEM((LANE,), jnp.int32),
            pltpu.VMEM((LANE, 128), jnp.float32),
            pltpu.SemaphoreType.DMA,
        ],
    )
    def k(user_hbm, item_hbm, uidx_hbm, iidx_hbm, node_out, idx_v, rows_v, sem):
        c = lax.axis_index("c")
        s = lax.axis_index("s")
        w = c * NS + s

        def gather_chunk(table_hbm, idx1_hbm, chunk, row_base):
            pltpu.sync_copy(idx1_hbm.at[pl.ds(chunk * LANE, LANE)], idx_v)
            pltpu.async_copy(table_hbm.at[idx_v], rows_v, sem).wait()
            pltpu.sync_copy(rows_v, node_out.at[pl.ds(row_base, LANE)])

        for t in range(-(-n_user_chunks // NW)):
            chunk = t * NW + w
            if (t + 1) * NW <= n_user_chunks:
                gather_chunk(user_hbm, uidx_hbm, chunk, chunk * LANE)
            else:
                @pl.when(chunk < n_user_chunks)
                def _():
                    gather_chunk(user_hbm, uidx_hbm, chunk, chunk * LANE)
        for t in range(-(-n_item_chunks // NW)):
            chunk = t * NW + w
            if (t + 1) * NW <= n_item_chunks:
                gather_chunk(item_hbm, iidx_hbm, chunk, u_pad + chunk * LANE)
            else:
                @pl.when(chunk < n_item_chunks)
                def _():
                    gather_chunk(item_hbm, iidx_hbm, chunk, u_pad + chunk * LANE)

    return k


NBUF = 2


def _edge_kernel(node_pad, n_chunks):
    mesh = plsc.VectorSubcoreMesh(core_axis_name="c", subcore_axis_name="s",
                                  num_cores=NC, num_subcores=NS)
    rows_per_sub = node_pad // NS
    assert n_chunks % NBUF == 0

    @functools.partial(
        pl.kernel,
        out_type=[
            jax.ShapeDtypeStruct((NC, node_pad, 128), jnp.float32),
            jax.ShapeDtypeStruct((NC, NS, 1, rows_per_sub), jnp.float32),
        ],
        mesh=mesh,
        scratch_types=[
            pltpu.VMEM((n_chunks, LANE), jnp.int32),
            pltpu.VMEM((NBUF, LANE), jnp.int32),
            pltpu.VMEM((NBUF, LANE, 128), jnp.float32),
            pltpu.VMEM((LANE,), jnp.float32),
            pltpu.VMEM_SHARED((node_pad, 128), jnp.float32),
            pltpu.VMEM_SHARED((node_pad,), jnp.float32),
            [pltpu.SemaphoreType.DMA] * NBUF,
            [pltpu.SemaphoreType.DMA] * NBUF,
            [pltpu.SemaphoreType.DMA] * NBUF,
            [pltpu.SemaphoreType.DMA] * NBUF,
        ],
    )
    def k(node_hbm, src_hbm, dst_hbm, ones_hbm, zrows_hbm, zdeg_hbm,
          agg_out, deg_out, src_v, dstr_v, rows_v, ones_v, agg_sh, deg_sh,
          gsem, ssem, dsem, isem):
        c = lax.axis_index("c")
        s = lax.axis_index("s")
        w = c * NS + s
        pltpu.sync_copy(zrows_hbm, agg_sh.at[pl.ds(s * rows_per_sub, rows_per_sub)])
        pltpu.sync_copy(zdeg_hbm, deg_sh.at[pl.ds(s * rows_per_sub, rows_per_sub)])
        pltpu.sync_copy(src_hbm.at[pl.ds(w * n_chunks, n_chunks)], src_v)
        pltpu.sync_copy(ones_hbm, ones_v)

        def gather_start(jj, b):
            pltpu.async_copy(node_hbm.at[src_v.at[jj]], rows_v.at[b], gsem[b])

        def gather_wait(jj, b):
            pltpu.make_async_copy(node_hbm.at[src_v.at[jj]], rows_v.at[b],
                                  gsem[b]).wait()

        def didx_start(jj, b):
            pltpu.async_copy(dst_hbm.at[w * n_chunks + jj], dstr_v.at[b],
                             isem[b])

        def didx_wait(jj, b):
            pltpu.make_async_copy(dst_hbm.at[w * n_chunks + jj], dstr_v.at[b],
                                  isem[b]).wait()

        for b in range(NBUF):
            didx_start(b, b)
            gather_start(b, b)
        plsc.subcore_barrier()

        def body(i, carry):
            j = i * NBUF
            sdescs = []
            ddescs = []
            for b in range(NBUF):
                jj = j + b
                gather_wait(jj, b)
                didx_wait(jj, b)
                sdescs.append(pltpu.async_copy(
                    rows_v.at[b], agg_sh.at[dstr_v.at[b]], ssem[b], add=True))
                ddescs.append(pltpu.async_copy(
                    ones_v, deg_sh.at[dstr_v.at[b]], dsem[b], add=True))
            for b in range(NBUF):
                sdescs[b].wait()
                ddescs[b].wait()
                didx_start(j + NBUF + b, b)
                gather_start(j + NBUF + b, b)
            return carry

        lax.fori_loop(0, n_chunks // NBUF - 1, body, 0)
        for b in range(NBUF):
            jj = n_chunks - NBUF + b
            gather_wait(jj, b)
            didx_wait(jj, b)
            pltpu.sync_copy(rows_v.at[b], agg_sh.at[dstr_v.at[b]], add=True)
            pltpu.sync_copy(ones_v, deg_sh.at[dstr_v.at[b]], add=True)
        plsc.subcore_barrier()
        sl = pl.ds(s * rows_per_sub, rows_per_sub)
        pltpu.sync_copy(agg_sh.at[sl], agg_out.at[c, sl])
        pltpu.sync_copy(deg_sh.at[sl], deg_out.at[c, s, 0])

    return k


def _tc_combine_kernel(node_pad, blk=512):

    def body(node_ref, agg_ref, deg_ref, ws_ref, wn_ref, b_ref, out_ref):
        a = agg_ref[0] + agg_ref[1]
        d = deg_ref[:, 0:1] + deg_ref[:, 1:2]
        agg = a / jnp.maximum(d, 1.0)
        h = (jnp.dot(node_ref[...], ws_ref[...], preferred_element_type=jnp.float32)
             + jnp.dot(agg, wn_ref[...], preferred_element_type=jnp.float32)
             + b_ref[...])
        out_ref[...] = jax.nn.sigmoid(h)

    grid = (node_pad // blk,)
    return pl.pallas_call(
        body,
        grid=grid,
        in_specs=[
            pl.BlockSpec((blk, 128), lambda i: (i, 0)),
            pl.BlockSpec((2, blk, 128), lambda i: (0, i, 0)),
            pl.BlockSpec((blk, 2), lambda i: (i, 0)),
            pl.BlockSpec((128, 128), lambda i: (0, 0)),
            pl.BlockSpec((128, 128), lambda i: (0, 0)),
            pl.BlockSpec((1, 128), lambda i: (0, 0)),
        ],
        out_specs=pl.BlockSpec((blk, 128), lambda i: (i, 0)),
        out_shape=jax.ShapeDtypeStruct((node_pad, 128), jnp.float32),
    )


def kernel(user_feats, item_feats, user_order_in_graph, item_order_in_graph,
           edge_index, W_self, W_neigh, b):
    nu = user_order_in_graph.shape[0]
    ni = item_order_in_graph.shape[0]
    e = edge_index.shape[1]

    u_pad = -(-nu // LANE) * LANE
    i_pad = -(-ni // LANE) * LANE
    node_pad = -(-(u_pad + i_pad) // (NS * LANE)) * (NS * LANE)

    uidx1 = jnp.pad(user_order_in_graph.astype(jnp.int32), (0, u_pad - nu))
    iidx1 = jnp.pad(item_order_in_graph.astype(jnp.int32), (0, i_pad - ni))

    src = edge_index[0].astype(jnp.int32)
    dst = edge_index[1].astype(jnp.int32)
    shift = u_pad - nu
    srcp = jnp.where(src < nu, src, src + shift)
    dstp = jnp.where(dst < nu, dst, dst + shift)
    epw = e // NW
    n_chunks = -(-epw // LANE)
    n_chunks = -(-n_chunks // 8) * 8
    epw_pad = n_chunks * LANE
    srcp2 = jnp.pad(srcp.reshape(NW, epw), ((0, 0), (0, epw_pad - epw))
                    ).reshape(NW * n_chunks, LANE)
    dstp2 = jnp.pad(dstp.reshape(NW, epw), ((0, 0), (0, epw_pad - epw)),
                    constant_values=node_pad - 1).reshape(NW * n_chunks, LANE)

    node_feats = _node_gather_kernel(u_pad, i_pad, node_pad)(
        user_feats, item_feats, uidx1, iidx1)

    rows_per_sub = node_pad // NS
    ones128 = jnp.ones((LANE,), jnp.float32)
    zrows = jnp.zeros((rows_per_sub, 128), jnp.float32)
    zdeg = jnp.zeros((rows_per_sub,), jnp.float32)
    agg2, deg2 = _edge_kernel(node_pad, n_chunks)(
        node_feats, srcp2, dstp2, ones128, zrows, zdeg)

    degT = deg2.reshape(NC, node_pad).T
    h = _tc_combine_kernel(node_pad)(
        node_feats, agg2, degT, W_self, W_neigh, b.reshape(1, 128))

    return jnp.concatenate([h[:nu], h[u_pad:u_pad + ni]], axis=0)

# --- scband reference (transcript-rebuilt; emitter-appended) ---
"""Pipeline reference for scband-main-gnnmodel-12309376270423 (READ-ONLY COPY).

The authoritative reference and input builder live on the scoring server;
editing this copy changes nothing except your own understanding.
"""

import jax, jax.numpy as jnp
import numpy as np

N_USERS = 600000
N_ITEMS = 200000
D = 128
N_U_NODES = 6000
N_I_NODES = 4000
N_NODES = N_U_NODES + N_I_NODES
E = 320000


def setup_inputs(seed: int = 0) -> dict:
    key = jax.random.key(seed)
    ks = jax.random.split(key, 8)
    user_feats = jax.random.normal(ks[0], (N_USERS, D), dtype=jnp.float32) * 0.02
    item_feats = jax.random.normal(ks[1], (N_ITEMS, D), dtype=jnp.float32) * 0.02
    user_order_in_graph = jax.random.randint(ks[2], (N_U_NODES,), 0, N_USERS, dtype=jnp.int64) if jax.config.jax_enable_x64 else jax.random.randint(ks[2], (N_U_NODES,), 0, N_USERS).astype(jnp.int32)
    item_order_in_graph = jax.random.randint(ks[3], (N_I_NODES,), 0, N_ITEMS).astype(jnp.int32)
    user_order_in_graph = user_order_in_graph.astype(jnp.int32)
    edge_index = jax.random.randint(ks[4], (2, E), 0, N_NODES).astype(jnp.int32)
    W_self = jax.random.normal(ks[5], (D, D), dtype=jnp.float32) * (1.0 / np.sqrt(D))
    W_neigh = jax.random.normal(ks[6], (D, D), dtype=jnp.float32) * (1.0 / np.sqrt(D))
    b = jnp.zeros((D,), dtype=jnp.float32)
    return {
        "user_feats": user_feats,
        "item_feats": item_feats,
        "user_order_in_graph": user_order_in_graph,
        "item_order_in_graph": item_order_in_graph,
        "edge_index": edge_index,
        "W_self": W_self,
        "W_neigh": W_neigh,
        "b": b,
    }


def reference(user_feats, item_feats, user_order_in_graph, item_order_in_graph, edge_index, W_self, W_neigh, b):
    # Embedding lookup: select graph-ordered user/item rows from the tables
    uf = jnp.take(user_feats, user_order_in_graph, axis=0)
    itf = jnp.take(item_feats, item_order_in_graph, axis=0)
    node_feats = jnp.concatenate([uf, itf], axis=0)  # [N_NODES, D]
    # GraphSAGE (mean aggregator), single layer
    src = edge_index[0]
    dst = edge_index[1]
    msgs = jnp.take(node_feats, src, axis=0)  # gather src features per edge
    agg = jax.ops.segment_sum(msgs, dst, num_segments=N_NODES)
    deg = jax.ops.segment_sum(jnp.ones((E,), dtype=jnp.float32), dst, num_segments=N_NODES)
    agg = agg / jnp.clip(deg, 1.0, None)[:, None]
    h = node_feats @ W_self + agg @ W_neigh + b
    return jax.nn.sigmoid(h)

if __name__ == "__main__":
    import jax
    _d = setup_inputs()
    print(jax.jit(kernel)(*tuple(_d.values())))

</pallas_src>

<mosaic_0001>
#map = affine_map<(d0, d1) -> (0, 0)>
#map1 = affine_map<(d0, d1) -> (0)>
module attributes {stable_mosaic.version = 14 : i64} {
  func.func @k(%arg0: i32, %arg1: i32, %arg2: memref<600000x128xf32, #tpu.memory_space<hbm>>, %arg3: memref<200000x128xf32, #tpu.memory_space<hbm>>, %arg4: memref<6016xi32, #tpu.memory_space<hbm>>, %arg5: memref<4096xi32, #tpu.memory_space<hbm>>, %arg6: memref<10240x128xf32, #tpu.memory_space<hbm>>, %arg7: memref<128xi32, #tpu.memory_space<vmem>>, %arg8: memref<128x128xf32, #tpu.memory_space<vmem>>, %arg9: memref<!tpu.dma_semaphore, #tpu.memory_space<semaphore_mem>>) attributes {dimension_semantics = [#tpu.dimension_semantics<core_parallel>, #tpu.dimension_semantics<subcore_parallel>], iteration_bounds = array<i64: 2, 16>, scalar_prefetch = 0 : i64, scratch_operands = 3 : i64, tpu.core_type = #tpu.core_type<sc_vector_subcore>, window_params = [{transform_indices = #map}, {transform_indices = #map}, {transform_indices = #map1}, {transform_indices = #map1}, {transform_indices = #map}]} {
    %mul3A = arith.constant 16 : i32
    %mul3A_0 = arith.muli %arg0, %mul3A : i32
    %add3A = arith.addi %mul3A_0, %arg1 : i32
    %add3A_1 = arith.constant 0 : i32
    %add3A_2 = arith.addi %add3A_1, %add3A : i32
    %mul3A_3 = arith.constant 128 : i32
    %mul3A_4 = arith.muli %add3A_2, %mul3A_3 : i32
    %mul3A_5 = arith.constant 128 : i32
    %mul3A_6 = arith.muli %add3A_2, %mul3A_5 : i32
    "tpu.region"() ({
      %run_scoped3A = tpu.sem_alloc : memref<!tpu.dma_semaphore, #tpu.memory_space<semaphore_mem>>
      %dma_start3A_29 = tpu.memref_slice %arg4[%mul3A_6] : memref<6016xi32, #tpu.memory_space<hbm>> -> memref<128xi32, #tpu.memory_space<hbm>>
      %dma_start3A_30 = tpu.memref_slice %arg4[%mul3A_6] : memref<6016xi32, #tpu.memory_space<hbm>> -> memref<128xi32, #tpu.memory_space<hbm>>
      tpu.enqueue_dma source(%dma_start3A_30 : memref<128xi32, #tpu.memory_space<hbm>>) target(%arg7 : memref<128xi32, #tpu.memory_space<vmem>>) target_semaphore(%run_scoped3A : memref<!tpu.dma_semaphore, #tpu.memory_space<semaphore_mem>>)
      %dma_wait3A_31 = tpu.memref_slice %arg4[%mul3A_6] : memref<6016xi32, #tpu.memory_space<hbm>> -> memref<128xi32, #tpu.memory_space<hbm>>
      %dma_wait3A_32 = tpu.memref_slice %arg4[%mul3A_6] : memref<6016xi32, #tpu.memory_space<hbm>> -> memref<128xi32, #tpu.memory_space<hbm>>
      tpu.wait_dma2 semaphore(%run_scoped3A : memref<!tpu.dma_semaphore, #tpu.memory_space<semaphore_mem>>) src(%dma_wait3A_32 : memref<128xi32, #tpu.memory_space<hbm>>) dst(%arg7 : memref<128xi32, #tpu.memory_space<vmem>>)
      tpu.yield
    }) : () -> ()
    %dma_start3A = arith.constant 0 : i32
    %dma_start3A_7 = arith.constant 0 : i32
    %dma_start3A_8 = tpu.memref_slice %arg2[%dma_start3A, %dma_start3A_7] : memref<600000x128xf32, #tpu.memory_space<hbm>> -> memref<600000x128xf32, #tpu.memory_space<hbm>>
    tpu.enqueue_indirect_dma source(%dma_start3A_8 : memref<600000x128xf32, #tpu.memory_space<hbm>>) target(%arg8 : memref<128x128xf32, #tpu.memory_space<vmem>>) offsets(%arg7 : memref<128xi32, #tpu.memory_space<vmem>>) semaphore(%arg9 : memref<!tpu.dma_semaphore, #tpu.memory_space<semaphore_mem>>)
    %dma_wait3A = arith.constant 0 : i32
    %dma_wait3A_9 = arith.constant 0 : i32
    %dma_wait3A_10 = tpu.memref_slice %arg2[%dma_wait3A, %dma_wait3A_9] : memref<600000x128xf32, #tpu.memory_space<hbm>> -> memref<600000x128xf32, #tpu.memory_space<hbm>>
    tpu.wait_indirect_dma semaphore(%arg9 : memref<!tpu.dma_semaphore, #tpu.memory_space<semaphore_mem>>) src(%dma_wait3A_10 : memref<600000x128xf32, #tpu.memory_space<hbm>>) dst(%arg8 : memref<128x128xf32, #tpu.memory_space<vmem>>)
    "tpu.region"() ({
      %run_scoped3A = tpu.sem_alloc : memref<!tpu.dma_semaphore, #tpu.memory_space<semaphore_mem>>
      %dma_start3A_29 = arith.constant 0 : i32
      %dma_start3A_30 = tpu.memref_slice %arg6[%mul3A_4, %dma_start3A_29] : memref<10240x128xf32, #tpu.memory_space<hbm>> -> memref<128x128xf32, #tpu.memory_space<hbm>>
      %dma_start3A_31 = arith.constant 0 : i32
      %dma_start3A_32 = tpu.memref_slice %arg6[%mul3A_4, %dma_start3A_31] : memref<10240x128xf32, #tpu.memory_space<hbm>> -> memref<128x128xf32, #tpu.memory_space<hbm>>
      tpu.enqueue_dma source(%arg8 : memref<128x128xf32, #tpu.memory_space<vmem>>) target(%dma_start3A_32 : memref<128x128xf32, #tpu.memory_space<hbm>>) target_semaphore(%run_scoped3A : memref<!tpu.dma_semaphore, #tpu.memory_space<semaphore_mem>>)
      %dma_wait3A_33 = arith.constant 0 : i32
      %dma_wait3A_34 = tpu.memref_slice %arg6[%mul3A_4, %dma_wait3A_33] : memref<10240x128xf32, #tpu.memory_space<hbm>> -> memref<128x128xf32, #tpu.memory_space<hbm>>
      %dma_wait3A_35 = arith.constant 0 : i32
      %dma_wait3A_36 = tpu.memref_slice %arg6[%mul3A_4, %dma_wait3A_35] : memref<10240x128xf32, #tpu.memory_space<hbm>> -> memref<128x128xf32, #tpu.memory_space<hbm>>
      tpu.wait_dma2 semaphore(%run_scoped3A : memref<!tpu.dma_semaphore, #tpu.memory_space<semaphore_mem>>) src(%arg8 : memref<128x128xf32, #tpu.memory_space<vmem>>) dst(%dma_wait3A_36 : memref<128x128xf32, #tpu.memory_space<hbm>>)
      tpu.yield
    }) : () -> ()
    %add3A_11 = arith.constant 32 : i32
    %add3A_12 = arith.addi %add3A_11, %add3A : i32
    %lt3A = arith.constant 47 : i32
    %lt3A_13 = arith.cmpi slt, %add3A_12, %lt3A : i32
    %convert_element_type3A = arith.extui %lt3A_13 : i1 to i32
    %cond3A = arith.constant 0 : i32
    %cond3A_14 = arith.cmpi ne, %convert_element_type3A, %cond3A : i32
    scf.if %cond3A_14 {
      %mul3A_29 = arith.constant 128 : i32
      %mul3A_30 = arith.muli %add3A_12, %mul3A_29 : i32
      %mul3A_31 = arith.constant 128 : i32
      %mul3A_32 = arith.muli %add3A_12, %mul3A_31 : i32
      "tpu.region"() ({
        %run_scoped3A = tpu.sem_alloc : memref<!tpu.dma_semaphore, #tpu.memory_space<semaphore_mem>>
        %dma_start3A_39 = tpu.memref_slice %arg4[%mul3A_32] : memref<6016xi32, #tpu.memory_space<hbm>> -> memref<128xi32, #tpu.memory_space<hbm>>
        %dma_start3A_40 = tpu.memref_slice %arg4[%mul3A_32] : memref<6016xi32, #tpu.memory_space<hbm>> -> memref<128xi32, #tpu.memory_space<hbm>>
        tpu.enqueue_dma source(%dma_start3A_40 : memref<128xi32, #tpu.memory_space<hbm>>) target(%arg7 : memref<128xi32, #tpu.memory_space<vmem>>) target_semaphore(%run_scoped3A : memref<!tpu.dma_semaphore, #tpu.memory_space<semaphore_mem>>)
        %dma_wait3A_41 = tpu.memref_slice %arg4[%mul3A_32] : memref<6016xi32, #tpu.memory_space<hbm>> -> memref<128xi32, #tpu.memory_space<hbm>>
        %dma_wait3A_42 = tpu.memref_slice %arg4[%mul3A_32] : memref<6016xi32, #tpu.memory_space<hbm>> -> memref<128xi32, #tpu.memory_space<hbm>>
        tpu.wait_dma2 semaphore(%run_scoped3A : memref<!tpu.dma_semaphore, #tpu.memory_space<semaphore_mem>>) src(%dma_wait3A_42 : memref<128xi32, #tpu.memory_space<hbm>>) dst(%arg7 : memref<128xi32, #tpu.memory_space<vmem>>)
        tpu.yield
      }) : () -> ()
      %dma_start3A_33 = arith.constant 0 : i32
      %dma_start3A_34 = arith.constant 0 : i32
      %dma_start3A_35 = tpu.memref_slice %arg2[%dma_start3A_33, %dma_start3A_34] : memref<600000x128xf32, #tpu.memory_space<hbm>> -> memref<600000x128xf32, #tpu.memory_space<hbm>>
      tpu.enqueue_indirect_dma source(%dma_start3A_35 : memref<600000x128xf32, #tpu.memory_space<hbm>>) target(%arg8 : memref<128x128xf32, #tpu.memory_space<vmem>>) offsets(%arg7 : memref<128xi32, #tpu.memory_space<vmem>>) semaphore(%arg9 : memref<!tpu.dma_semaphore, #tpu.memory_space<semaphore_mem>>)
      %dma_wait3A_36 = arith.constant 0 : i32
      %dma_wait3A_37 = arith.constant 0 : i32
      %dma_wait3A_38 = tpu.memref_slice %arg2[%dma_wait3A_36, %dma_wait3A_37] : memref<600000x128xf32, #tpu.memory_space<hbm>> -> memref<600000x128xf32, #tpu.memory_space<hbm>>
      tpu.wait_indirect_dma semaphore(%arg9 : memref<!tpu.dma_semaphore, #tpu.memory_space<semaphore_mem>>) src(%dma_wait3A_38 : memref<600000x128xf32, #tpu.memory_space<hbm>>) dst(%arg8 : memref<128x128xf32, #tpu.memory_space<vmem>>)
      "tpu.region"() ({
        %run_scoped3A = tpu.sem_alloc : memref<!tpu.dma_semaphore, #tpu.memory_space<semaphore_mem>>
        %dma_start3A_39 = arith.constant 0 : i32
        %dma_start3A_40 = tpu.memref_slice %arg6[%mul3A_30, %dma_start3A_39] : memref<10240x128xf32, #tpu.memory_space<hbm>> -> memref<128x128xf32, #tpu.memory_space<hbm>>
        %dma_start3A_41 = arith.constant 0 : i32
        %dma_start3A_42 = tpu.memref_slice %arg6[%mul3A_30, %dma_start3A_41] : memref<10240x128xf32, #tpu.memory_space<hbm>> -> memref<128x128xf32, #tpu.memory_space<hbm>>
        tpu.enqueue_dma source(%arg8 : memref<128x128xf32, #tpu.memory_space<vmem>>) target(%dma_start3A_42 : memref<128x128xf32, #tpu.memory_space<hbm>>) target_semaphore(%run_scoped3A : memref<!tpu.dma_semaphore, #tpu.memory_space<semaphore_mem>>)
        %dma_wait3A_43 = arith.constant 0 : i32
        %dma_wait3A_44 = tpu.memref_slice %arg6[%mul3A_30, %dma_wait3A_43] : memref<10240x128xf32, #tpu.memory_space<hbm>> -> memref<128x128xf32, #tpu.memory_space<hbm>>
        %dma_wait3A_45 = arith.constant 0 : i32
        %dma_wait3A_46 = tpu.memref_slice %arg6[%mul3A_30, %dma_wait3A_45] : memref<10240x128xf32, #tpu.memory_space<hbm>> -> memref<128x128xf32, #tpu.memory_space<hbm>>
        tpu.wait_dma2 semaphore(%run_scoped3A : memref<!tpu.dma_semaphore, #tpu.memory_space<semaphore_mem>>) src(%arg8 : memref<128x128xf32, #tpu.memory_space<vmem>>) dst(%dma_wait3A_46 : memref<128x128xf32, #tpu.memory_space<hbm>>)
        tpu.yield
      }) : () -> ()
    } else {
    }
    %add3A_15 = arith.constant 0 : i32
    %add3A_16 = arith.addi %add3A_15, %add3A : i32
    %mul3A_17 = arith.constant 128 : i32
    %mul3A_18 = arith.muli %add3A_16, %mul3A_17 : i32
    %add3A_19 = arith.constant 6016 : i32
    %add3A_20 = arith.addi %add3A_19, %mul3A_18 : i32
    %mul3A_21 = arith.constant 128 : i32
    %mul3A_22 = arith.muli %add3A_16, %mul3A_21 : i32
    "tpu.region"() ({
      %run_scoped3A = tpu.sem_alloc : memref<!tpu.dma_semaphore, #tpu.memory_space<semaphore_mem>>
      %dma_start3A_29 = tpu.memref_slice %arg5[%mul3A_22] : memref<4096xi32, #tpu.memory_space<hbm>> -> memref<128xi32, #tpu.memory_space<hbm>>
      %dma_start3A_30 = tpu.memref_slice %arg5[%mul3A_22] : memref<4096xi32, #tpu.memory_space<hbm>> -> memref<128xi32, #tpu.memory_space<hbm>>
      tpu.enqueue_dma source(%dma_start3A_30 : memref<128xi32, #tpu.memory_space<hbm>>) target(%arg7 : memref<128xi32, #tpu.memory_space<vmem>>) target_semaphore(%run_scoped3A : memref<!tpu.dma_semaphore, #tpu.memory_space<semaphore_mem>>)
      %dma_wait3A_31 = tpu.memref_slice %arg5[%mul3A_22] : memref<4096xi32, #tpu.memory_space<hbm>> -> memref<128xi32, #tpu.memory_space<hbm>>
      %dma_wait3A_32 = tpu.memref_slice %arg5[%mul3A_22] : memref<4096xi32, #tpu.memory_space<hbm>> -> memref<128xi32, #tpu.memory_space<hbm>>
      tpu.wait_dma2 semaphore(%run_scoped3A : memref<!tpu.dma_semaphore, #tpu.memory_space<semaphore_mem>>) src(%dma_wait3A_32 : memref<128xi32, #tpu.memory_space<hbm>>) dst(%arg7 : memref<128xi32, #tpu.memory_space<vmem>>)
      tpu.yield
    }) : () -> ()
    %dma_start3A_23 = arith.constant 0 : i32
    %dma_start3A_24 = arith.constant 0 : i32
    %dma_start3A_25 = tpu.memref_slice %arg3[%dma_start3A_23, %dma_start3A_24] : memref<200000x128xf32, #tpu.memory_space<hbm>> -> memref<200000x128xf32, #tpu.memory_space<hbm>>
    tpu.enqueue_indirect_dma source(%dma_start3A_25 : memref<200000x128xf32, #tpu.memory_space<hbm>>) target(%arg8 : memref<128x128xf32, #tpu.memory_space<vmem>>) offsets(%arg7 : memref<128xi32, #tpu.memory_space<vmem>>) semaphore(%arg9 : memref<!tpu.dma_semaphore, #tpu.memory_space<semaphore_mem>>)
    %dma_wait3A_26 = arith.constant 0 : i32
    %dma_wait3A_27 = arith.constant 0 : i32
    %dma_wait3A_28 = tpu.memref_slice %arg3[%dma_wait3A_26, %dma_wait3A_27] : memref<200000x128xf32, #tpu.memory_space<hbm>> -> memref<200000x128xf32, #tpu.memory_space<hbm>>
    tpu.wait_indirect_dma semaphore(%arg9 : memref<!tpu.dma_semaphore, #tpu.memory_space<semaphore_mem>>) src(%dma_wait3A_28 : memref<200000x128xf32, #tpu.memory_space<hbm>>) dst(%arg8 : memref<128x128xf32, #tpu.memory_space<vmem>>)
    "tpu.region"() ({
      %run_scoped3A = tpu.sem_alloc : memref<!tpu.dma_semaphore, #tpu.memory_space<semaphore_mem>>
      %dma_start3A_29 = arith.constant 0 : i32
      %dma_start3A_30 = tpu.memref_slice %arg6[%add3A_20, %dma_start3A_29] : memref<10240x128xf32, #tpu.memory_space<hbm>> -> memref<128x128xf32, #tpu.memory_space<hbm>>
      %dma_start3A_31 = arith.constant 0 : i32
      %dma_start3A_32 = tpu.memref_slice %arg6[%add3A_20, %dma_start3A_31] : memref<10240x128xf32, #tpu.memory_space<hbm>> -> memref<128x128xf32, #tpu.memory_space<hbm>>
      tpu.enqueue_dma source(%arg8 : memref<128x128xf32, #tpu.memory_space<vmem>>) target(%dma_start3A_32 : memref<128x128xf32, #tpu.memory_space<hbm>>) target_semaphore(%run_scoped3A : memref<!tpu.dma_semaphore, #tpu.memory_space<semaphore_mem>>)
      %dma_wait3A_33 = arith.constant 0 : i32
      %dma_wait3A_34 = tpu.memref_slice %arg6[%add3A_20, %dma_wait3A_33] : memref<10240x128xf32, #tpu.memory_space<hbm>> -> memref<128x128xf32, #tpu.memory_space<hbm>>
      %dma_wait3A_35 = arith.constant 0 : i32
      %dma_wait3A_36 = tpu.memref_slice %arg6[%add3A_20, %dma_wait3A_35] : memref<10240x128xf32, #tpu.memory_space<hbm>> -> memref<128x128xf32, #tpu.memory_space<hbm>>
      tpu.wait_dma2 semaphore(%run_scoped3A : memref<!tpu.dma_semaphore, #tpu.memory_space<semaphore_mem>>) src(%arg8 : memref<128x128xf32, #tpu.memory_space<vmem>>) dst(%dma_wait3A_36 : memref<128x128xf32, #tpu.memory_space<hbm>>)
      tpu.yield
    }) : () -> ()
    return
  }
}

#map = affine_map<(d0, d1) -> (0, 0)>
#map1 = affine_map<(d0, d1) -> (0)>
#map2 = affine_map<(d0, d1) -> (0, 0, 0)>
#map3 = affine_map<(d0, d1) -> (0, 0, 0, 0)>
module attributes {stable_mosaic.version = 14 : i64} {
  func.func @k(%arg0: i32, %arg1: i32, %arg2: memref<10240x128xf32, #tpu.memory_space<hbm>>, %arg3: memref<2560x128xi32, #tpu.memory_space<hbm>>, %arg4: memref<2560x128xi32, #tpu.memory_space<hbm>>, %arg5: memref<128xf32, #tpu.memory_space<hbm>>, %arg6: memref<640x128xf32, #tpu.memory_space<hbm>>, %arg7: memref<640xf32, #tpu.memory_space<hbm>>, %arg8: memref<2x10240x128xf32, #tpu.memory_space<hbm>>, %arg9: memref<2x16x1x640xf32, #tpu.memory_space<hbm>>, %arg10: memref<80x128xi32, #tpu.memory_space<vmem>>, %arg11: memref<2x128xi32, #tpu.memory_space<vmem>>, %arg12: memref<2x128x128xf32, #tpu.memory_space<vmem>>, %arg13: memref<128xf32, #tpu.memory_space<vmem>>, %arg14: memref<10240x128xf32, #tpu.memory_space<vmem_shared>>, %arg15: memref<10240xf32, #tpu.memory_space<vmem_shared>>, %arg16: memref<!tpu.dma_semaphore, #tpu.memory_space<semaphore_mem>>, %arg17: memref<!tpu.dma_semaphore, #tpu.memory_space<semaphore_mem>>, %arg18: memref<!tpu.dma_semaphore, #tpu.memory_space<semaphore_mem>>, %arg19: memref<!tpu.dma_semaphore, #tpu.memory_space<semaphore_mem>>, %arg20: memref<!tpu.dma_semaphore, #tpu.memory_space<semaphore_mem>>, %arg21: memref<!tpu.dma_semaphore, #tpu.memory_space<semaphore_mem>>, %arg22: memref<!tpu.dma_semaphore, #tpu.memory_space<semaphore_mem>>, %arg23: memref<!tpu.dma_semaphore, #tpu.memory_space<semaphore_mem>>) attributes {dimension_semantics = [#tpu.dimension_semantics<core_parallel>, #tpu.dimension_semantics<subcore_parallel>], iteration_bounds = array<i64: 2, 16>, scalar_prefetch = 0 : i64, scratch_operands = 14 : i64, tpu.core_type = #tpu.core_type<sc_vector_subcore>, window_params = [{transform_indices = #map}, {transform_indices = #map}, {transform_indices = #map}, {transform_indices = #map1}, {transform_indices = #map}, {transform_indices = #map1}, {transform_indices = #map2}, {transform_indices = #map3}]} {
    %mul3A = arith.constant 16 : i32
    %mul3A_0 = arith.muli %arg0, %mul3A : i32
    %add3A = arith.addi %mul3A_0, %arg1 : i32
    %mul3A_1 = arith.constant 640 : i32
    %mul3A_2 = arith.muli %arg1, %mul3A_1 : i32
    "tpu.region"() ({
      %run_scoped3A_135 = tpu.sem_alloc : memref<!tpu.dma_semaphore, #tpu.memory_space<semaphore_mem>>
      %dma_start3A_136 = arith.constant 0 : i32
      %dma_start3A_137 = tpu.memref_slice %arg14[%mul3A_2, %dma_start3A_136] : memref<10240x128xf32, #tpu.memory_space<vmem_shared>> -> memref<640x128xf32, #tpu.memory_space<vmem_shared>>
      tpu.enqueue_dma source(%arg6 : memref<640x128xf32, #tpu.memory_space<hbm>>) target(%dma_start3A_137 : memref<640x128xf32, #tpu.memory_space<vmem_shared>>) target_semaphore(%run_scoped3A_135 : memref<!tpu.dma_semaphore, #tpu.memory_space<semaphore_mem>>)
      %dma_wait3A_138 = arith.constant 0 : i32
      %dma_wait3A_139 = tpu.memref_slice %arg14[%mul3A_2, %dma_wait3A_138] : memref<10240x128xf32, #tpu.memory_space<vmem_shared>> -> memref<640x128xf32, #tpu.memory_space<vmem_shared>>
      tpu.wait_dma2 semaphore(%run_scoped3A_135 : memref<!tpu.dma_semaphore, #tpu.memory_space<semaphore_mem>>) src(%arg6 : memref<640x128xf32, #tpu.memory_space<hbm>>) dst(%dma_wait3A_139 : memref<640x128xf32, #tpu.memory_space<vmem_shared>>)
      tpu.yield
    }) : () -> ()
    %mul3A_3 = arith.constant 640 : i32
    %mul3A_4 = arith.muli %arg1, %mul3A_3 : i32
    "tpu.region"() ({
      %run_scoped3A_135 = tpu.sem_alloc : memref<!tpu.dma_semaphore, #tpu.memory_space<semaphore_mem>>
      %dma_start3A_136 = tpu.memref_slice %arg15[%mul3A_4] : memref<10240xf32, #tpu.memory_space<vmem_shared>> -> memref<640xf32, #tpu.memory_space<vmem_shared>>
      tpu.enqueue_dma source(%arg7 : memref<640xf32, #tpu.memory_space<hbm>>) target(%dma_start3A_136 : memref<640xf32, #tpu.memory_space<vmem_shared>>) target_semaphore(%run_scoped3A_135 : memref<!tpu.dma_semaphore, #tpu.memory_space<semaphore_mem>>)
      %dma_wait3A_137 = tpu.memref_slice %arg15[%mul3A_4] : memref<10240xf32, #tpu.memory_space<vmem_shared>> -> memref<640xf32, #tpu.memory_space<vmem_shared>>
      tpu.wait_dma2 semaphore(%run_scoped3A_135 : memref<!tpu.dma_semaphore, #tpu.memory_space<semaphore_mem>>) src(%arg7 : memref<640xf32, #tpu.memory_space<hbm>>) dst(%dma_wait3A_137 : memref<640xf32, #tpu.memory_space<vmem_shared>>)
      tpu.yield
    }) : () -> ()
    %mul3A_5 = arith.constant 80 : i32
    %mul3A_6 = arith.muli %add3A, %mul3A_5 : i32
    "tpu.region"() ({
      %run_scoped3A_135 = tpu.sem_alloc : memref<!tpu.dma_semaphore, #tpu.memory_space<semaphore_mem>>
      %dma_start3A_136 = arith.constant 0 : i32
      %dma_start3A_137 = tpu.memref_slice %arg3[%mul3A_6, %dma_start3A_136] : memref<2560x128xi32, #tpu.memory_space<hbm>> -> memref<80x128xi32, #tpu.memory_space<hbm>>
      %dma_start3A_138 = arith.constant 0 : i32
      %dma_start3A_139 = tpu.memref_slice %arg3[%mul3A_6, %dma_start3A_138] : memref<2560x128xi32, #tpu.memory_space<hbm>> -> memref<80x128xi32, #tpu.memory_space<hbm>>
      tpu.enqueue_dma source(%dma_start3A_139 : memref<80x128xi32, #tpu.memory_space<hbm>>) target(%arg10 : memref<80x128xi32, #tpu.memory_space<vmem>>) target_semaphore(%run_scoped3A_135 : memref<!tpu.dma_semaphore, #tpu.memory_space<semaphore_mem>>)
      %dma_wait3A_140 = arith.constant 0 : i32
      %dma_wait3A_141 = tpu.memref_slice %arg3[%mul3A_6, %dma_wait3A_140] : memref<2560x128xi32, #tpu.memory_space<hbm>> -> memref<80x128xi32, #tpu.memory_space<hbm>>
      %dma_wait3A_142 = arith.constant 0 : i32
      %dma_wait3A_143 = tpu.memref_slice %arg3[%mul3A_6, %dma_wait3A_142] : memref<2560x128xi32, #tpu.memory_space<hbm>> -> memref<80x128xi32, #tpu.memory_space<hbm>>
      tpu.wait_dma2 semaphore(%run_scoped3A_135 : memref<!tpu.dma_semaphore, #tpu.memory_space<semaphore_mem>>) src(%dma_wait3A_143 : memref<80x128xi32, #tpu.memory_space<hbm>>) dst(%arg10 : memref<80x128xi32, #tpu.memory_space<vmem>>)
      tpu.yield
    }) : () -> ()
    "tpu.region"() ({
      %run_scoped3A_135 = tpu.sem_alloc : memref<!tpu.dma_semaphore, #tpu.memory_space<semaphore_mem>>
      tpu.enqueue_dma source(%arg5 : memref<128xf32, #tpu.memory_space<hbm>>) target(%arg13 : memref<128xf32, #tpu.memory_space<vmem>>) target_semaphore(%run_scoped3A_135 : memref<!tpu.dma_semaphore, #tpu.memory_space<semaphore_mem>>)
      tpu.wait_dma2 semaphore(%run_scoped3A_135 : memref<!tpu.dma_semaphore, #tpu.memory_space<semaphore_mem>>) src(%arg5 : memref<128xf32, #tpu.memory_space<hbm>>) dst(%arg13 : memref<128xf32, #tpu.memory_space<vmem>>)
      tpu.yield
    }) : () -> ()
    %mul3A_7 = arith.constant 80 : i32
    %mul3A_8 = arith.muli %add3A, %mul3A_7 : i32
    %add3A_9 = arith.constant 0 : i32
    %add3A_10 = arith.addi %mul3A_8, %add3A_9 : i32
    %dma_start3A = arith.constant 0 : i32
    %dma_start3A_11 = arith.constant 0 : i32
    %dma_start3A_12 = tpu.memref_slice %arg11[%dma_start3A, %dma_start3A_11] : memref<2x128xi32, #tpu.memory_space<vmem>> -> memref<1x128xi32, #tpu.memory_space<vmem>>
    %dma_start3A_13 = tpu.memref_squeeze %dma_start3A_12 : memref<1x128xi32, #tpu.memory_space<vmem>> -> memref<128xi32, #tpu.memory_space<vmem>>
    %dma_start3A_14 = arith.constant 0 : i32
    %dma_start3A_15 = tpu.memref_slice %arg4[%add3A_10, %dma_start3A_14] : memref<2560x128xi32, #tpu.memory_space<hbm>> -> memref<1x128xi32, #tpu.memory_space<hbm>>
    %dma_start3A_16 = tpu.memref_squeeze %dma_start3A_15 : memref<1x128xi32, #tpu.memory_space<hbm>> -> memref<128xi32, #tpu.memory_space<hbm>>
    %dma_start3A_17 = arith.constant 0 : i32
    %dma_start3A_18 = tpu.memref_slice %arg11[%dma_start3A, %dma_start3A_17] : memref<2x128xi32, #tpu.memory_space<vmem>> -> memref<1x128xi32, #tpu.memory_space<vmem>>
    %dma_start3A_19 = tpu.memref_squeeze %dma_start3A_18 : memref<1x128xi32, #tpu.memory_space<vmem>> -> memref<128xi32, #tpu.memory_space<vmem>>
    %dma_start3A_20 = arith.constant 0 : i32
    %dma_start3A_21 = tpu.memref_slice %arg4[%add3A_10, %dma_start3A_20] : memref<2560x128xi32, #tpu.memory_space<hbm>> -> memref<1x128xi32, #tpu.memory_space<hbm>>
    %dma_start3A_22 = tpu.memref_squeeze %dma_start3A_21 : memref<1x128xi32, #tpu.memory_space<hbm>> -> memref<128xi32, #tpu.memory_space<hbm>>
    tpu.enqueue_dma source(%dma_start3A_22 : memref<128xi32, #tpu.memory_space<hbm>>) target(%dma_start3A_19 : memref<128xi32, #tpu.memory_space<vmem>>) target_semaphore(%arg22 : memref<!tpu.dma_semaphore, #tpu.memory_space<semaphore_mem>>)
    %dma_start3A_23 = arith.constant 0 : i32
    %dma_start3A_24 = arith.constant 0 : i32
    %dma_start3A_25 = arith.constant 0 : i32
    %dma_start3A_26 = arith.constant 0 : i32
    %dma_start3A_27 = tpu.memref_slice %arg12[%dma_start3A_24, %dma_start3A_25, %dma_start3A_26] : memref<2x128x128xf32, #tpu.memory_space<vmem>> -> memref<1x128x128xf32, #tpu.memory_space<vmem>>
    %dma_start3A_28 = tpu.memref_squeeze %dma_start3A_27 : memref<1x128x128xf32, #tpu.memory_space<vmem>> -> memref<128x128xf32, #tpu.memory_space<vmem>>
    %dma_start3A_29 = arith.constant 0 : i32
    %dma_start3A_30 = tpu.memref_slice %arg10[%dma_start3A_23, %dma_start3A_29] : memref<80x128xi32, #tpu.memory_space<vmem>> -> memref<1x128xi32, #tpu.memory_space<vmem>>
    %dma_start3A_31 = tpu.memref_squeeze %dma_start3A_30 : memref<1x128xi32, #tpu.memory_space<vmem>> -> memref<128xi32, #tpu.memory_space<vmem>>
    %dma_start3A_32 = arith.constant 0 : i32
    %dma_start3A_33 = arith.constant 0 : i32
    %dma_start3A_34 = tpu.memref_slice %arg2[%dma_start3A_32, %dma_start3A_33] : memref<10240x128xf32, #tpu.memory_space<hbm>> -> memref<10240x128xf32, #tpu.memory_space<hbm>>
    tpu.enqueue_indirect_dma source(%dma_start3A_34 : memref<10240x128xf32, #tpu.memory_space<hbm>>) target(%dma_start3A_28 : memref<128x128xf32, #tpu.memory_space<vmem>>) offsets(%dma_start3A_31 : memref<128xi32, #tpu.memory_space<vmem>>) semaphore(%arg16 : memref<!tpu.dma_semaphore, #tpu.memory_space<semaphore_mem>>)
    %mul3A_35 = arith.constant 80 : i32
    %mul3A_36 = arith.muli %add3A, %mul3A_35 : i32
    %add3A_37 = arith.constant 1 : i32
    %add3A_38 = arith.addi %mul3A_36, %add3A_37 : i32
    %dma_start3A_39 = arith.constant 1 : i32
    %dma_start3A_40 = arith.constant 0 : i32
    %dma_start3A_41 = tpu.memref_slice %arg11[%dma_start3A_39, %dma_start3A_40] : memref<2x128xi32, #tpu.memory_space<vmem>> -> memref<1x128xi32, #tpu.memory_space<vmem>>
    %dma_start3A_42 = tpu.memref_squeeze %dma_start3A_41 : memref<1x128xi32, #tpu.memory_space<vmem>> -> memref<128xi32, #tpu.memory_space<vmem>>
    %dma_start3A_43 = arith.constant 0 : i32
    %dma_start3A_44 = tpu.memref_slice %arg4[%add3A_38, %dma_start3A_43] : memref<2560x128xi32, #tpu.memory_space<hbm>> -> memref<1x128xi32, #tpu.memory_space<hbm>>
    %dma_start3A_45 = tpu.memref_squeeze %dma_start3A_44 : memref<1x128xi32, #tpu.memory_space<hbm>> -> memref<128xi32, #tpu.memory_space<hbm>>
    %dma_start3A_46 = arith.constant 0 : i32
    %dma_start3A_47 = tpu.memref_slice %arg11[%dma_start3A_39, %dma_start3A_46] : memref<2x128xi32, #tpu.memory_space<vmem>> -> memref<1x128xi32, #tpu.memory_space<vmem>>
    %dma_start3A_48 = tpu.memref_squeeze %dma_start3A_47 : memref<1x128xi32, #tpu.memory_space<vmem>> -> memref<128xi32, #tpu.memory_space<vmem>>
    %dma_start3A_49 = arith.constant 0 : i32
    %dma_start3A_50 = tpu.memref_slice %arg4[%add3A_38, %dma_start3A_49] : memref<2560x128xi32, #tpu.memory_space<hbm>> -> memref<1x128xi32, #tpu.memory_space<hbm>>
    %dma_start3A_51 = tpu.memref_squeeze %dma_start3A_50 : memref<1x128xi32, #tpu.memory_space<hbm>> -> memref<128xi32, #tpu.memory_space<hbm>>
    tpu.enqueue_dma source(%dma_start3A_51 : memref<128xi32, #tpu.memory_space<hbm>>) target(%dma_start3A_48 : memref<128xi32, #tpu.memory_space<vmem>>) target_semaphore(%arg23 : memref<!tpu.dma_semaphore, #tpu.memory_space<semaphore_mem>>)
    %dma_start3A_52 = arith.constant 1 : i32
    %dma_start3A_53 = arith.constant 1 : i32
    %dma_start3A_54 = arith.constant 0 : i32
    %dma_start3A_55 = arith.constant 0 : i32
    %dma_start3A_56 = tpu.memref_slice %arg12[%dma_start3A_53, %dma_start3A_54, %dma_start3A_55] : memref<2x128x128xf32, #tpu.memory_space<vmem>> -> memref<1x128x128xf32, #tpu.memory_space<vmem>>
    %dma_start3A_57 = tpu.memref_squeeze %dma_start3A_56 : memref<1x128x128xf32, #tpu.memory_space<vmem>> -> memref<128x128xf32, #tpu.memory_space<vmem>>
    %dma_start3A_58 = arith.constant 0 : i32
    %dma_start3A_59 = tpu.memref_slice %arg10[%dma_start3A_52, %dma_start3A_58] : memref<80x128xi32, #tpu.memory_space<vmem>> -> memref<1x128xi32, #tpu.memory_space<vmem>>
    %dma_start3A_60 = tpu.memref_squeeze %dma_start3A_59 : memref<1x128xi32, #tpu.memory_space<vmem>> -> memref<128xi32, #tpu.memory_space<vmem>>
    %dma_start3A_61 = arith.constant 0 : i32
    %dma_start3A_62 = arith.constant 0 : i32
    %dma_start3A_63 = tpu.memref_slice %arg2[%dma_start3A_61, %dma_start3A_62] : memref<10240x128xf32, #tpu.memory_space<hbm>> -> memref<10240x128xf32, #tpu.memory_space<hbm>>
    tpu.enqueue_indirect_dma source(%dma_start3A_63 : memref<10240x128xf32, #tpu.memory_space<hbm>>) target(%dma_start3A_57 : memref<128x128xf32, #tpu.memory_space<vmem>>) offsets(%dma_start3A_60 : memref<128xi32, #tpu.memory_space<vmem>>) semaphore(%arg17 : memref<!tpu.dma_semaphore, #tpu.memory_space<semaphore_mem>>)
    %barrier3A = arith.constant 0 : index
    tpu.barrier barrier_id(%barrier3A)
    %scan3A = arith.constant 0 : i32
    %scan3A_64 = arith.constant 0 : i32
    %scan3A_65 = arith.constant 39 : i32
    %scan3A_66 = arith.addi %scan3A_64, %scan3A_65 : i32
    %scan3A_67 = arith.constant 1 : i32
    scf.for %scan3A_135 = %scan3A_64 to %scan3A_66 step %scan3A_67  : i32 {
      %mul3A_136 = arith.constant 2 : i32
      %mul3A_137 = arith.muli %scan3A_135, %mul3A_136 : i32
      %add3A_138 = arith.constant 0 : i32
      %add3A_139 = arith.addi %mul3A_137, %add3A_138 : i32
      %dma_wait3A_140 = arith.constant 0 : i32
      %dma_wait3A_141 = arith.constant 0 : i32
      %dma_wait3A_142 = arith.constant 0 : i32
      %dma_wait3A_143 = tpu.memref_slice %arg12[%dma_wait3A_140, %dma_wait3A_141, %dma_wait3A_142] : memref<2x128x128xf32, #tpu.memory_space<vmem>> -> memref<1x128x128xf32, #tpu.memory_space<vmem>>
      %dma_wait3A_144 = tpu.memref_squeeze %dma_wait3A_143 : memref<1x128x128xf32, #tpu.memory_space<vmem>> -> memref<128x128xf32, #tpu.memory_space<vmem>>
      %dma_wait3A_145 = arith.constant 0 : i32
      %dma_wait3A_146 = tpu.memref_slice %arg10[%add3A_139, %dma_wait3A_145] : memref<80x128xi32, #tpu.memory_space<vmem>> -> memref<1x128xi32, #tpu.memory_space<vmem>>
      %dma_wait3A_147 = tpu.memref_squeeze %dma_wait3A_146 : memref<1x128xi32, #tpu.memory_space<vmem>> -> memref<128xi32, #tpu.memory_space<vmem>>
      %dma_wait3A_148 = arith.constant 0 : i32
      %dma_wait3A_149 = arith.constant 0 : i32
      %dma_wait3A_150 = tpu.memref_slice %arg2[%dma_wait3A_148, %dma_wait3A_149] : memref<10240x128xf32, #tpu.memory_space<hbm>> -> memref<10240x128xf32, #tpu.memory_space<hbm>>
      tpu.wait_indirect_dma semaphore(%arg16 : memref<!tpu.dma_semaphore, #tpu.memory_space<semaphore_mem>>) src(%dma_wait3A_150 : memref<10240x128xf32, #tpu.memory_space<hbm>>) dst(%dma_wait3A_144 : memref<128x128xf32, #tpu.memory_space<vmem>>)
      %mul3A_151 = arith.constant 80 : i32
      %mul3A_152 = arith.muli %add3A, %mul3A_151 : i32
      %add3A_153 = arith.addi %mul3A_152, %add3A_139 : i32
      %dma_wait3A_154 = arith.constant 0 : i32
      %dma_wait3A_155 = arith.constant 0 : i32
      %dma_wait3A_156 = tpu.memref_slice %arg11[%dma_wait3A_154, %dma_wait3A_155] : memref<2x128xi32, #tpu.memory_space<vmem>> -> memref<1x128xi32, #tpu.memory_space<vmem>>
      %dma_wait3A_157 = tpu.memref_squeeze %dma_wait3A_156 : memref<1x128xi32, #tpu.memory_space<vmem>> -> memref<128xi32, #tpu.memory_space<vmem>>
      %dma_wait3A_158 = arith.constant 0 : i32
      %dma_wait3A_159 = tpu.memref_slice %arg4[%add3A_153, %dma_wait3A_158] : memref<2560x128xi32, #tpu.memory_space<hbm>> -> memref<1x128xi32, #tpu.memory_space<hbm>>
      %dma_wait3A_160 = tpu.memref_squeeze %dma_wait3A_159 : memref<1x128xi32, #tpu.memory_space<hbm>> -> memref<128xi32, #tpu.memory_space<hbm>>
      %dma_wait3A_161 = arith.constant 0 : i32
      %dma_wait3A_162 = tpu.memref_slice %arg11[%dma_wait3A_154, %dma_wait3A_161] : memref<2x128xi32, #tpu.memory_space<vmem>> -> memref<1x128xi32, #tpu.memory_space<vmem>>
      %dma_wait3A_163 = tpu.memref_squeeze %dma_wait3A_162 : memref<1x128xi32, #tpu.memory_space<vmem>> -> memref<128xi32, #tpu.memory_space<vmem>>
      %dma_wait3A_164 = arith.constant 0 : i32
      %dma_wait3A_165 = tpu.memref_slice %arg4[%add3A_153, %dma_wait3A_164] : memref<2560x128xi32, #tpu.memory_space<hbm>> -> memref<1x128xi32, #tpu.memory_space<hbm>>
      %dma_wait3A_166 = tpu.memref_squeeze %dma_wait3A_165 : memref<1x128xi32, #tpu.memory_space<hbm>> -> memref<128xi32, #tpu.memory_space<hbm>>
      tpu.wait_dma2 semaphore(%arg22 : memref<!tpu.dma_semaphore, #tpu.memory_space<semaphore_mem>>) src(%dma_wait3A_166 : memref<128xi32, #tpu.memory_space<hbm>>) dst(%dma_wait3A_163 : memref<128xi32, #tpu.memory_space<vmem>>)
      %dma_start3A_167 = arith.constant 0 : i32
      %dma_start3A_168 = arith.constant 0 : i32
      %dma_start3A_169 = arith.constant 0 : i32
      %dma_start3A_170 = arith.constant 0 : i32
      %dma_start3A_171 = tpu.memref_slice %arg12[%dma_start3A_167, %dma_start3A_169, %dma_start3A_170] : memref<2x128x128xf32, #tpu.memory_space<vmem>> -> memref<1x128x128xf32, #tpu.memory_space<vmem>>
      %dma_start3A_172 = tpu.memref_squeeze %dma_start3A_171 : memref<1x128x128xf32, #tpu.memory_space<vmem>> -> memref<128x128xf32, #tpu.memory_space<vmem>>
      %dma_start3A_173 = arith.constant 0 : i32
      %dma_start3A_174 = tpu.memref_slice %arg11[%dma_start3A_168, %dma_start3A_173] : memref<2x128xi32, #tpu.memory_space<vmem>> -> memref<1x128xi32, #tpu.memory_space<vmem>>
      %dma_start3A_175 = tpu.memref_squeeze %dma_start3A_174 : memref<1x128xi32, #tpu.memory_space<vmem>> -> memref<128xi32, #tpu.memory_space<vmem>>
      %dma_start3A_176 = arith.constant 0 : i32
      %dma_start3A_177 = arith.constant 0 : i32
      %dma_start3A_178 = tpu.memref_slice %arg14[%dma_start3A_176, %dma_start3A_177] : memref<10240x128xf32, #tpu.memory_space<vmem_shared>> -> memref<10240x128xf32, #tpu.memory_space<vmem_shared>>
      tpu.enqueue_indirect_dma source(%dma_start3A_172 : memref<128x128xf32, #tpu.memory_space<vmem>>) target(%dma_start3A_178 : memref<10240x128xf32, #tpu.memory_space<vmem_shared>>) offsets(%dma_start3A_175 : memref<128xi32, #tpu.memory_space<vmem>>) semaphore(%arg18 : memref<!tpu.dma_semaphore, #tpu.memory_space<semaphore_mem>>) {add = true}
      %dma_start3A_179 = arith.constant 0 : i32
      %dma_start3A_180 = arith.constant 0 : i32
      %dma_start3A_181 = tpu.memref_slice %arg11[%dma_start3A_179, %dma_start3A_180] : memref<2x128xi32, #tpu.memory_space<vmem>> -> memref<1x128xi32, #tpu.memory_space<vmem>>
      %dma_start3A_182 = tpu.memref_squeeze %dma_start3A_181 : memref<1x128xi32, #tpu.memory_space<vmem>> -> memref<128xi32, #tpu.memory_space<vmem>>
      %dma_start3A_183 = arith.constant 0 : i32
      %dma_start3A_184 = tpu.memref_slice %arg15[%dma_start3A_183] : memref<10240xf32, #tpu.memory_space<vmem_shared>> -> memref<10240xf32, #tpu.memory_space<vmem_shared>>
      tpu.enqueue_indirect_dma source(%arg13 : memref<128xf32, #tpu.memory_space<vmem>>) target(%dma_start3A_184 : memref<10240xf32, #tpu.memory_space<vmem_shared>>) offsets(%dma_start3A_182 : memref<128xi32, #tpu.memory_space<vmem>>) semaphore(%arg20 : memref<!tpu.dma_semaphore, #tpu.memory_space<semaphore_mem>>) {add = true}
      %add3A_185 = arith.constant 1 : i32
      %add3A_186 = arith.addi %mul3A_137, %add3A_185 : i32
      %dma_wait3A_187 = arith.constant 1 : i32
      %dma_wait3A_188 = arith.constant 0 : i32
      %dma_wait3A_189 = arith.constant 0 : i32
      %dma_wait3A_190 = tpu.memref_slice %arg12[%dma_wait3A_187, %dma_wait3A_188, %dma_wait3A_189] : memref<2x128x128xf32, #tpu.memory_space<vmem>> -> memref<1x128x128xf32, #tpu.memory_space<vmem>>
      %dma_wait3A_191 = tpu.memref_squeeze %dma_wait3A_190 : memref<1x128x128xf32, #tpu.memory_space<vmem>> -> memref<128x128xf32, #tpu.memory_space<vmem>>
      %dma_wait3A_192 = arith.constant 0 : i32
      %dma_wait3A_193 = tpu.memref_slice %arg10[%add3A_186, %dma_wait3A_192] : memref<80x128xi32, #tpu.memory_space<vmem>> -> memref<1x128xi32, #tpu.memory_space<vmem>>
      %dma_wait3A_194 = tpu.memref_squeeze %dma_wait3A_193 : memref<1x128xi32, #tpu.memory_space<vmem>> -> memref<128xi32, #tpu.memory_space<vmem>>
      %dma_wait3A_195 = arith.constant 0 : i32
      %dma_wait3A_196 = arith.constant 0 : i32
      %dma_wait3A_197 = tpu.memref_slice %arg2[%dma_wait3A_195, %dma_wait3A_196] : memref<10240x128xf32, #tpu.memory_space<hbm>> -> memref<10240x128xf32, #tpu.memory_space<hbm>>
      tpu.wait_indirect_dma semaphore(%arg17 : memref<!tpu.dma_semaphore, #tpu.memory_space<semaphore_mem>>) src(%dma_wait3A_197 : memref<10240x128xf32, #tpu.memory_space<hbm>>) dst(%dma_wait3A_191 : memref<128x128xf32, #tpu.memory_space<vmem>>)
      %mul3A_198 = arith.constant 80 : i32
      %mul3A_199 = arith.muli %add3A, %mul3A_198 : i32
      %add3A_200 = arith.addi %mul3A_199, %add3A_186 : i32
      %dma_wait3A_201 = arith.constant 1 : i32
      %dma_wait3A_202 = arith.constant 0 : i32
      %dma_wait3A_203 = tpu.memref_slice %arg11[%dma_wait3A_201, %dma_wait3A_202] : memref<2x128xi32, #tpu.memory_space<vmem>> -> memref<1x128xi32, #tpu.memory_space<vmem>>
      %dma_wait3A_204 = tpu.memref_squeeze %dma_wait3A_203 : memref<1x128xi32, #tpu.memory_space<vmem>> -> memref<128xi32, #tpu.memory_space<vmem>>
      %dma_wait3A_205 = arith.constant 0 : i32
      %dma_wait3A_206 = tpu.memref_slice %arg4[%add3A_200, %dma_wait3A_205] : memref<2560x128xi32, #tpu.memory_space<hbm>> -> memref<1x128xi32, #tpu.memory_space<hbm>>
      %dma_wait3A_207 = tpu.memref_squeeze %dma_wait3A_206 : memref<1x128xi32, #tpu.memory_space<hbm>> -> memref<128xi32, #tpu.memory_space<hbm>>
      %dma_wait3A_208 = arith.constant 0 : i32
      %dma_wait3A_209 = tpu.memref_slice %arg11[%dma_wait3A_201, %dma_wait3A_208] : memref<2x128xi32, #tpu.memory_space<vmem>> -> memref<1x128xi32, #tpu.memory_space<vmem>>
      %dma_wait3A_210 = tpu.memref_squeeze %dma_wait3A_209 : memref<1x128xi32, #tpu.memory_space<vmem>> -> memref<128xi32, #tpu.memory_space<vmem>>
      %dma_wait3A_211 = arith.constant 0 : i32
      %dma_wait3A_212 = tpu.memref_slice %arg4[%add3A_200, %dma_wait3A_211] : memref<2560x128xi32, #tpu.memory_space<hbm>> -> memref<1x128xi32, #tpu.memory_space<hbm>>
      %dma_wait3A_213 = tpu.memref_squeeze %dma_wait3A_212 : memref<1x128xi32, #tpu.memory_space<hbm>> -> memref<128xi32, #tpu.memory_space<hbm>>
      tpu.wait_dma2 semaphore(%arg23 : memref<!tpu.dma_semaphore, #tpu.memory_space<semaphore_mem>>) src(%dma_wait3A_213 : memref<128xi32, #tpu.memory_space<hbm>>) dst(%dma_wait3A_210 : memref<128xi32, #tpu.memory_space<vmem>>)
      %dma_start3A_214 = arith.constant 1 : i32
      %dma_start3A_215 = arith.constant 1 : i32
      %dma_start3A_216 = arith.constant 0 : i32
      %dma_start3A_217 = arith.constant 0 : i32
      %dma_start3A_218 = tpu.memref_slice %arg12[%dma_start3A_214, %dma_start3A_216, %dma_start3A_217] : memref<2x128x128xf32, #tpu.memory_space<vmem>> -> memref<1x128x128xf32, #tpu.memory_space<vmem>>
      %dma_start3A_219 = tpu.memref_squeeze %dma_start3A_218 : memref<1x128x128xf32, #tpu.memory_space<vmem>> -> memref<128x128xf32, #tpu.memory_space<vmem>>
      %dma_start3A_220 = arith.constant 0 : i32
      %dma_start3A_221 = tpu.memref_slice %arg11[%dma_start3A_215, %dma_start3A_220] : memref<2x128xi32, #tpu.memory_space<vmem>> -> memref<1x128xi32, #tpu.memory_space<vmem>>
      %dma_start3A_222 = tpu.memref_squeeze %dma_start3A_221 : memref<1x128xi32, #tpu.memory_space<vmem>> -> memref<128xi32, #tpu.memory_space<vmem>>
      %dma_start3A_223 = arith.constant 0 : i32
      %dma_start3A_224 = arith.constant 0 : i32
      %dma_start3A_225 = tpu.memref_slice %arg14[%dma_start3A_223, %dma_start3A_224] : memref<10240x128xf32, #tpu.memory_space<vmem_shared>> -> memref<10240x128xf32, #tpu.memory_space<vmem_shared>>
      tpu.enqueue_indirect_dma source(%dma_start3A_219 : memref<128x128xf32, #tpu.memory_space<vmem>>) target(%dma_start3A_225 : memref<10240x128xf32, #tpu.memory_space<vmem_shared>>) offsets(%dma_start3A_222 : memref<128xi32, #tpu.memory_space<vmem>>) semaphore(%arg19 : memref<!tpu.dma_semaphore, #tpu.memory_space<semaphore_mem>>) {add = true}
      %dma_start3A_226 = arith.constant 1 : i32
      %dma_start3A_227 = arith.constant 0 : i32
      %dma_start3A_228 = tpu.memref_slice %arg11[%dma_start3A_226, %dma_start3A_227] : memref<2x128xi32, #tpu.memory_space<vmem>> -> memref<1x128xi32, #tpu.memory_space<vmem>>
      %dma_start3A_229 = tpu.memref_squeeze %dma_start3A_228 : memref<1x128xi32, #tpu.memory_space<vmem>> -> memref<128xi32, #tpu.memory_space<vmem>>
      %dma_start3A_230 = arith.constant 0 : i32
      %dma_start3A_231 = tpu.memref_slice %arg15[%dma_start3A_230] : memref<10240xf32, #tpu.memory_space<vmem_shared>> -> memref<10240xf32, #tpu.memory_space<vmem_shared>>
      tpu.enqueue_indirect_dma source(%arg13 : memref<128xf32, #tpu.memory_space<vmem>>) target(%dma_start3A_231 : memref<10240xf32, #tpu.memory_space<vmem_shared>>) offsets(%dma_start3A_229 : memref<128xi32, #tpu.memory_space<vmem>>) semaphore(%arg21 : memref<!tpu.dma_semaphore, #tpu.memory_space<semaphore_mem>>) {add = true}
      %dma_wait3A_232 = arith.constant 0 : i32
      %dma_wait3A_233 = arith.constant 0 : i32
      %dma_wait3A_234 = arith.constant 0 : i32
      %dma_wait3A_235 = arith.constant 0 : i32
      %dma_wait3A_236 = tpu.memref_slice %arg12[%dma_wait3A_232, %dma_wait3A_234, %dma_wait3A_235] : memref<2x128x128xf32, #tpu.memory_space<vmem>> -> memref<1x128x128xf32, #tpu.memory_space<vmem>>
      %dma_wait3A_237 = tpu.memref_squeeze %dma_wait3A_236 : memref<1x128x128xf32, #tpu.memory_space<vmem>> -> memref<128x128xf32, #tpu.memory_space<vmem>>
      %dma_wait3A_238 = arith.constant 0 : i32
      %dma_wait3A_239 = tpu.memref_slice %arg11[%dma_wait3A_233, %dma_wait3A_238] : memref<2x128xi32, #tpu.memory_space<vmem>> -> memref<1x128xi32, #tpu.memory_space<vmem>>
      %dma_wait3A_240 = tpu.memref_squeeze %dma_wait3A_239 : memref<1x128xi32, #tpu.memory_space<vmem>> -> memref<128xi32, #tpu.memory_space<vmem>>
      %dma_wait3A_241 = arith.constant 0 : i32
      %dma_wait3A_242 = arith.constant 0 : i32
      %dma_wait3A_243 = tpu.memref_slice %arg14[%dma_wait3A_241, %dma_wait3A_242] : memref<10240x128xf32, #tpu.memory_space<vmem_shared>> -> memref<10240x128xf32, #tpu.memory_space<vmem_shared>>
      tpu.wait_indirect_dma semaphore(%arg18 : memref<!tpu.dma_semaphore, #tpu.memory_space<semaphore_mem>>) src(%dma_wait3A_237 : memref<128x128xf32, #tpu.memory_space<vmem>>) dst(%dma_wait3A_243 : memref<10240x128xf32, #tpu.memory_space<vmem_shared>>)
      %dma_wait3A_244 = arith.constant 0 : i32
      %dma_wait3A_245 = arith.constant 0 : i32
      %dma_wait3A_246 = tpu.memref_slice %arg11[%dma_wait3A_244, %dma_wait3A_245] : memref<2x128xi32, #tpu.memory_space<vmem>> -> memref<1x128xi32, #tpu.memory_space<vmem>>
      %dma_wait3A_247 = tpu.memref_squeeze %dma_wait3A_246 : memref<1x128xi32, #tpu.memory_space<vmem>> -> memref<128xi32, #tpu.memory_space<vmem>>
      %dma_wait3A_248 = arith.constant 0 : i32
      %dma_wait3A_249 = tpu.memref_slice %arg15[%dma_wait3A_248] : memref<10240xf32, #tpu.memory_space<vmem_shared>> -> memref<10240xf32, #tpu.memory_space<vmem_shared>>
      tpu.wait_indirect_dma semaphore(%arg20 : memref<!tpu.dma_semaphore, #tpu.memory_space<semaphore_mem>>) src(%arg13 : memref<128xf32, #tpu.memory_space<vmem>>) dst(%dma_wait3A_249 : memref<10240xf32, #tpu.memory_space<vmem_shared>>)
      %add3A_250 = arith.constant 2 : i32
      %add3A_251 = arith.addi %mul3A_137, %add3A_250 : i32
      %add3A_252 = arith.constant 0 : i32
      %add3A_253 = arith.addi %add3A_251, %add3A_252 : i32
      %mul3A_254 = arith.constant 80 : i32
      %mul3A_255 = arith.muli %add3A, %mul3A_254 : i32
      %add3A_256 = arith.addi %mul3A_255, %add3A_253 : i32
      %dma_start3A_257 = arith.constant 0 : i32
      %dma_start3A_258 = arith.constant 0 : i32
      %dma_start3A_259 = tpu.memref_slice %arg11[%dma_start3A_257, %dma_start3A_258] : memref<2x128xi32, #tpu.memory_space<vmem>> -> memref<1x128xi32, #tpu.memory_space<vmem>>
      %dma_start3A_260 = tpu.memref_squeeze %dma_start3A_259 : memref<1x128xi32, #tpu.memory_space<vmem>> -> memref<128xi32, #tpu.memory_space<vmem>>
      %dma_start3A_261 = arith.constant 0 : i32
      %dma_start3A_262 = tpu.memref_slice %arg4[%add3A_256, %dma_start3A_261] : memref<2560x128xi32, #tpu.memory_space<hbm>> -> memref<1x128xi32, #tpu.memory_space<hbm>>
      %dma_start3A_263 = tpu.memref_squeeze %dma_start3A_262 : memref<1x128xi32, #tpu.memory_space<hbm>> -> memref<128xi32, #tpu.memory_space<hbm>>
      %dma_start3A_264 = arith.constant 0 : i32
      %dma_start3A_265 = tpu.memref_slice %arg11[%dma_start3A_257, %dma_start3A_264] : memref<2x128xi32, #tpu.memory_space<vmem>> -> memref<1x128xi32, #tpu.memory_space<vmem>>
      %dma_start3A_266 = tpu.memref_squeeze %dma_start3A_265 : memref<1x128xi32, #tpu.memory_space<vmem>> -> memref<128xi32, #tpu.memory_space<vmem>>
      %dma_start3A_267 = arith.constant 0 : i32
      %dma_start3A_268 = tpu.memref_slice %arg4[%add3A_256, %dma_start3A_267] : memref<2560x128xi32, #tpu.memory_space<hbm>> -> memref<1x128xi32, #tpu.memory_space<hbm>>
      %dma_start3A_269 = tpu.memref_squeeze %dma_start3A_268 : memref<1x128xi32, #tpu.memory_space<hbm>> -> memref<128xi32, #tpu.memory_space<hbm>>
      tpu.enqueue_dma source(%dma_start3A_269 : memref<128xi32, #tpu.memory_space<hbm>>) target(%dma_start3A_266 : memref<128xi32, #tpu.memory_space<vmem>>) target_semaphore(%arg22 : memref<!tpu.dma_semaphore, #tpu.memory_space<semaphore_mem>>)
      %add3A_270 = arith.constant 2 : i32
      %add3A_271 = arith.addi %mul3A_137, %add3A_270 : i32
      %add3A_272 = arith.constant 0 : i32
      %add3A_273 = arith.addi %add3A_271, %add3A_272 : i32
      %dma_start3A_274 = arith.constant 0 : i32
      %dma_start3A_275 = arith.constant 0 : i32
      %dma_start3A_276 = arith.constant 0 : i32
      %dma_start3A_277 = tpu.memref_slice %arg12[%dma_start3A_274, %dma_start3A_275, %dma_start3A_276] : memref<2x128x128xf32, #tpu.memory_space<vmem>> -> memref<1x128x128xf32, #tpu.memory_space<vmem>>
      %dma_start3A_278 = tpu.memref_squeeze %dma_start3A_277 : memref<1x128x128xf32, #tpu.memory_space<vmem>> -> memref<128x128xf32, #tpu.memory_space<vmem>>
      %dma_start3A_279 = arith.constant 0 : i32
      %dma_start3A_280 = tpu.memref_slice %arg10[%add3A_273, %dma_start3A_279] : memref<80x128xi32, #tpu.memory_space<vmem>> -> memref<1x128xi32, #tpu.memory_space<vmem>>
      %dma_start3A_281 = tpu.memref_squeeze %dma_start3A_280 : memref<1x128xi32, #tpu.memory_space<vmem>> -> memref<128xi32, #tpu.memory_space<vmem>>
      %dma_start3A_282 = arith.constant 0 : i32
      %dma_start3A_283 = arith.constant 0 : i32
      %dma_start3A_284 = tpu.memref_slice %arg2[%dma_start3A_282, %dma_start3A_283] : memref<10240x128xf32, #tpu.memory_space<hbm>> -> memref<10240x128xf32, #tpu.memory_space<hbm>>
      tpu.enqueue_indirect_dma source(%dma_start3A_284 : memref<10240x128xf32, #tpu.memory_space<hbm>>) target(%dma_start3A_278 : memref<128x128xf32, #tpu.memory_space<vmem>>) offsets(%dma_start3A_281 : memref<128xi32, #tpu.memory_space<vmem>>) semaphore(%arg16 : memref<!tpu.dma_semaphore, #tpu.memory_space<semaphore_mem>>)
      %dma_wait3A_285 = arith.constant 1 : i32
      %dma_wait3A_286 = arith.constant 1 : i32
      %dma_wait3A_287 = arith.constant 0 : i32
      %dma_wait3A_288 = arith.constant 0 : i32
      %dma_wait3A_289 = tpu.memref_slice %arg12[%dma_wait3A_285, %dma_wait3A_287, %dma_wait3A_288] : memref<2x128x128xf32, #tpu.memory_space<vmem>> -> memref<1x128x128xf32, #tpu.memory_space<vmem>>
      %dma_wait3A_290 = tpu.memref_squeeze %dma_wait3A_289 : memref<1x128x128xf32, #tpu.memory_space<vmem>> -> memref<128x128xf32, #tpu.memory_space<vmem>>
      %dma_wait3A_291 = arith.constant 0 : i32
      %dma_wait3A_292 = tpu.memref_slice %arg11[%dma_wait3A_286, %dma_wait3A_291] : memref<2x128xi32, #tpu.memory_space<vmem>> -> memref<1x128xi32, #tpu.memory_space<vmem>>
      %dma_wait3A_293 = tpu.memref_squeeze %dma_wait3A_292 : memref<1x128xi32, #tpu.memory_space<vmem>> -> memref<128xi32, #tpu.memory_space<vmem>>
      %dma_wait3A_294 = arith.constant 0 : i32
      %dma_wait3A_295 = arith.constant 0 : i32
      %dma_wait3A_296 = tpu.memref_slice %arg14[%dma_wait3A_294, %dma_wait3A_295] : memref<10240x128xf32, #tpu.memory_space<vmem_shared>> -> memref<10240x128xf32, #tpu.memory_space<vmem_shared>>
      tpu.wait_indirect_dma semaphore(%arg19 : memref<!tpu.dma_semaphore, #tpu.memory_space<semaphore_mem>>) src(%dma_wait3A_290 : memref<128x128xf32, #tpu.memory_space<vmem>>) dst(%dma_wait3A_296 : memref<10240x128xf32, #tpu.memory_space<vmem_shared>>)
      %dma_wait3A_297 = arith.constant 1 : i32
      %dma_wait3A_298 = arith.constant 0 : i32
      %dma_wait3A_299 = tpu.memref_slice %arg11[%dma_wait3A_297, %dma_wait3A_298] : memref<2x128xi32, #tpu.memory_space<vmem>> -> memref<1x128xi32, #tpu.memory_space<vmem>>
      %dma_wait3A_300 = tpu.memref_squeeze %dma_wait3A_299 : memref<1x128xi32, #tpu.memory_space<vmem>> -> memref<128xi32, #tpu.memory_space<vmem>>
      %dma_wait3A_301 = arith.constant 0 : i32
      %dma_wait3A_302 = tpu.memref_slice %arg15[%dma_wait3A_301] : memref<10240xf32, #tpu.memory_space<vmem_shared>> -> memref<10240xf32, #tpu.memory_space<vmem_shared>>
      tpu.wait_indirect_dma semaphore(%arg21 : memref<!tpu.dma_semaphore, #tpu.memory_space<semaphore_mem>>) src(%arg13 : memref<128xf32, #tpu.memory_space<vmem>>) dst(%dma_wait3A_302 : memref<10240xf32, #tpu.memory_space<vmem_shared>>)
      %add3A_303 = arith.constant 2 : i32
      %add3A_304 = arith.addi %mul3A_137, %add3A_303 : i32
      %add3A_305 = arith.constant 1 : i32
      %add3A_306 = arith.addi %add3A_304, %add3A_305 : i32
      %mul3A_307 = arith.constant 80 : i32
      %mul3A_308 = arith.muli %add3A, %mul3A_307 : i32
      %add3A_309 = arith.addi %mul3A_308, %add3A_306 : i32
      %dma_start3A_310 = arith.constant 1 : i32
      %dma_start3A_311 = arith.constant 0 : i32
      %dma_start3A_312 = tpu.memref_slice %arg11[%dma_start3A_310, %dma_start3A_311] : memref<2x128xi32, #tpu.memory_space<vmem>> -> memref<1x128xi32, #tpu.memory_space<vmem>>
      %dma_start3A_313 = tpu.memref_squeeze %dma_start3A_312 : memref<1x128xi32, #tpu.memory_space<vmem>> -> memref<128xi32, #tpu.memory_space<vmem>>
      %dma_start3A_314 = arith.constant 0 : i32
      %dma_start3A_315 = tpu.memref_slice %arg4[%add3A_309, %dma_start3A_314] : memref<2560x128xi32, #tpu.memory_space<hbm>> -> memref<1x128xi32, #tpu.memory_space<hbm>>
      %dma_start3A_316 = tpu.memref_squeeze %dma_start3A_315 : memref<1x128xi32, #tpu.memory_space<hbm>> -> memref<128xi32, #tpu.memory_space<hbm>>
      %dma_start3A_317 = arith.constant 0 : i32
      %dma_start3A_318 = tpu.memref_slice %arg11[%dma_start3A_310, %dma_start3A_317] : memref<2x128xi32, #tpu.memory_space<vmem>> -> memref<1x128xi32, #tpu.memory_space<vmem>>
      %dma_start3A_319 = tpu.memref_squeeze %dma_start3A_318 : memref<1x128xi32, #tpu.memory_space<vmem>> -> memref<128xi32, #tpu.memory_space<vmem>>
      %dma_start3A_320 = arith.constant 0 : i32
      %dma_start3A_321 = tpu.memref_slice %arg4[%add3A_309, %dma_start3A_320] : memref<2560x128xi32, #tpu.memory_space<hbm>> -> memref<1x128xi32, #tpu.memory_space<hbm>>
      %dma_start3A_322 = tpu.memref_squeeze %dma_start3A_321 : memref<1x128xi32, #tpu.memory_space<hbm>> -> memref<128xi32, #tpu.memory_space<hbm>>
      tpu.enqueue_dma source(%dma_start3A_322 : memref<128xi32, #tpu.memory_space<hbm>>) target(%dma_start3A_319 : memref<128xi32, #tpu.memory_space<vmem>>) target_semaphore(%arg23 : memref<!tpu.dma_semaphore, #tpu.memory_space<semaphore_mem>>)
      %add3A_323 = arith.constant 2 : i32
      %add3A_324 = arith.addi %mul3A_137, %add3A_323 : i32
      %add3A_325 = arith.constant 1 : i32
      %add3A_326 = arith.addi %add3A_324, %add3A_325 : i32
      %dma_start3A_327 = arith.constant 1 : i32
      %dma_start3A_328 = arith.constant 0 : i32
      %dma_start3A_329 = arith.constant 0 : i32
      %dma_start3A_330 = tpu.memref_slice %arg12[%dma_start3A_327, %dma_start3A_328, %dma_start3A_329] : memref<2x128x128xf32, #tpu.memory_space<vmem>> -> memref<1x128x128xf32, #tpu.memory_space<vmem>>
      %dma_start3A_331 = tpu.memref_squeeze %dma_start3A_330 : memref<1x128x128xf32, #tpu.memory_space<vmem>> -> memref<128x128xf32, #tpu.memory_space<vmem>>
      %dma_start3A_332 = arith.constant 0 : i32
      %dma_start3A_333 = tpu.memref_slice %arg10[%add3A_326, %dma_start3A_332] : memref<80x128xi32, #tpu.memory_space<vmem>> -> memref<1x128xi32, #tpu.memory_space<vmem>>
      %dma_start3A_334 = tpu.memref_squeeze %dma_start3A_333 : memref<1x128xi32, #tpu.memory_space<vmem>> -> memref<128xi32, #tpu.memory_space<vmem>>
      %dma_start3A_335 = arith.constant 0 : i32
      %dma_start3A_336 = arith.constant 0 : i32
      %dma_start3A_337 = tpu.memref_slice %arg2[%dma_start3A_335, %dma_start3A_336] : memref<10240x128xf32, #tpu.memory_space<hbm>> -> memref<10240x128xf32, #tpu.memory_space<hbm>>
      tpu.enqueue_indirect_dma source(%dma_start3A_337 : memref<10240x128xf32, #tpu.memory_space<hbm>>) target(%dma_start3A_331 : memref<128x128xf32, #tpu.memory_space<vmem>>) offsets(%dma_start3A_334 : memref<128xi32, #tpu.memory_space<vmem>>) semaphore(%arg17 : memref<!tpu.dma_semaphore, #tpu.memory_space<semaphore_mem>>)
    }
    %scan3A_68 = arith.constant 39 : i32
    %dma_wait3A = arith.constant 78 : i32
    %dma_wait3A_69 = arith.constant 0 : i32
    %dma_wait3A_70 = arith.constant 0 : i32
    %dma_wait3A_71 = arith.constant 0 : i32
    %dma_wait3A_72 = tpu.memref_slice %arg12[%dma_wait3A_69, %dma_wait3A_70, %dma_wait3A_71] : memref<2x128x128xf32, #tpu.memory_space<vmem>> -> memref<1x128x128xf32, #tpu.memory_space<vmem>>
    %dma_wait3A_73 = tpu.memref_squeeze %dma_wait3A_72 : memref<1x128x128xf32, #tpu.memory_space<vmem>> -> memref<128x128xf32, #tpu.memory_space<vmem>>
    %dma_wait3A_74 = arith.constant 0 : i32
    %dma_wait3A_75 = tpu.memref_slice %arg10[%dma_wait3A, %dma_wait3A_74] : memref<80x128xi32, #tpu.memory_space<vmem>> -> memref<1x128xi32, #tpu.memory_space<vmem>>
    %dma_wait3A_76 = tpu.memref_squeeze %dma_wait3A_75 : memref<1x128xi32, #tpu.memory_space<vmem>> -> memref<128xi32, #tpu.memory_space<vmem>>
    %dma_wait3A_77 = arith.constant 0 : i32
    %dma_wait3A_78 = arith.constant 0 : i32
    %dma_wait3A_79 = tpu.memref_slice %arg2[%dma_wait3A_77, %dma_wait3A_78] : memref<10240x128xf32, #tpu.memory_space<hbm>> -> memref<10240x128xf32, #tpu.memory_space<hbm>>
    tpu.wait_indirect_dma semaphore(%arg16 : memref<!tpu.dma_semaphore, #tpu.memory_space<semaphore_mem>>) src(%dma_wait3A_79 : memref<10240x128xf32, #tpu.memory_space<hbm>>) dst(%dma_wait3A_73 : memref<128x128xf32, #tpu.memory_space<vmem>>)
    %mul3A_80 = arith.constant 80 : i32
    %mul3A_81 = arith.muli %add3A, %mul3A_80 : i32
    %add3A_82 = arith.constant 78 : i32
    %add3A_83 = arith.addi %mul3A_81, %add3A_82 : i32
    %dma_wait3A_84 = arith.constant 0 : i32
    %dma_wait3A_85 = arith.constant 0 : i32
    %dma_wait3A_86 = tpu.memref_slice %arg11[%dma_wait3A_84, %dma_wait3A_85] : memref<2x128xi32, #tpu.memory_space<vmem>> -> memref<1x128xi32, #tpu.memory_space<vmem>>
    %dma_wait3A_87 = tpu.memref_squeeze %dma_wait3A_86 : memref<1x128xi32, #tpu.memory_space<vmem>> -> memref<128xi32, #tpu.memory_space<vmem>>
    %dma_wait3A_88 = arith.constant 0 : i32
    %dma_wait3A_89 = tpu.memref_slice %arg4[%add3A_83, %dma_wait3A_88] : memref<2560x128xi32, #tpu.memory_space<hbm>> -> memref<1x128xi32, #tpu.memory_space<hbm>>
    %dma_wait3A_90 = tpu.memref_squeeze %dma_wait3A_89 : memref<1x128xi32, #tpu.memory_space<hbm>> -> memref<128xi32, #tpu.memory_space<hbm>>
    %dma_wait3A_91 = arith.constant 0 : i32
    %dma_wait3A_92 = tpu.memref_slice %arg11[%dma_wait3A_84, %dma_wait3A_91] : memref<2x128xi32, #tpu.memory_space<vmem>> -> memref<1x128xi32, #tpu.memory_space<vmem>>
    %dma_wait3A_93 = tpu.memref_squeeze %dma_wait3A_92 : memref<1x128xi32, #tpu.memory_space<vmem>> -> memref<128xi32, #tpu.memory_space<vmem>>
    %dma_wait3A_94 = arith.constant 0 : i32
    %dma_wait3A_95 = tpu.memref_slice %arg4[%add3A_83, %dma_wait3A_94] : memref<2560x128xi32, #tpu.memory_space<hbm>> -> memref<1x128xi32, #tpu.memory_space<hbm>>
    %dma_wait3A_96 = tpu.memref_squeeze %dma_wait3A_95 : memref<1x128xi32, #tpu.memory_space<hbm>> -> memref<128xi32, #tpu.memory_space<hbm>>
    tpu.wait_dma2 semaphore(%arg22 : memref<!tpu.dma_semaphore, #tpu.memory_space<semaphore_mem>>) src(%dma_wait3A_96 : memref<128xi32, #tpu.memory_space<hbm>>) dst(%dma_wait3A_93 : memref<128xi32, #tpu.memory_space<vmem>>)
    %run_scoped3A = arith.constant 0 : i32
    %run_scoped3A_97 = arith.constant 0 : i32
    "tpu.region"() ({
      %run_scoped3A_135 = tpu.sem_alloc : memref<!tpu.dma_semaphore, #tpu.memory_space<semaphore_mem>>
      %dma_start3A_136 = arith.constant 0 : i32
      %dma_start3A_137 = arith.constant 0 : i32
      %dma_start3A_138 = tpu.memref_slice %arg12[%run_scoped3A, %dma_start3A_136, %dma_start3A_137] : memref<2x128x128xf32, #tpu.memory_space<vmem>> -> memref<1x128x128xf32, #tpu.memory_space<vmem>>
      %dma_start3A_139 = tpu.memref_squeeze %dma_start3A_138 : memref<1x128x128xf32, #tpu.memory_space<vmem>> -> memref<128x128xf32, #tpu.memory_space<vmem>>
      %dma_start3A_140 = arith.constant 0 : i32
      %dma_start3A_141 = tpu.memref_slice %arg11[%run_scoped3A_97, %dma_start3A_140] : memref<2x128xi32, #tpu.memory_space<vmem>> -> memref<1x128xi32, #tpu.memory_space<vmem>>
      %dma_start3A_142 = tpu.memref_squeeze %dma_start3A_141 : memref<1x128xi32, #tpu.memory_space<vmem>> -> memref<128xi32, #tpu.memory_space<vmem>>
      %dma_start3A_143 = arith.constant 0 : i32
      %dma_start3A_144 = arith.constant 0 : i32
      %dma_start3A_145 = tpu.memref_slice %arg14[%dma_start3A_143, %dma_start3A_144] : memref<10240x128xf32, #tpu.memory_space<vmem_shared>> -> memref<10240x128xf32, #tpu.memory_space<vmem_shared>>
      tpu.enqueue_indirect_dma source(%dma_start3A_139 : memref<128x128xf32, #tpu.memory_space<vmem>>) target(%dma_start3A_145 : memref<10240x128xf32, #tpu.memory_space<vmem_shared>>) offsets(%dma_start3A_142 : memref<128xi32, #tpu.memory_space<vmem>>) semaphore(%run_scoped3A_135 : memref<!tpu.dma_semaphore, #tpu.memory_space<semaphore_mem>>) {add = true}
      %dma_wait3A_146 = arith.constant 0 : i32
      %dma_wait3A_147 = arith.constant 0 : i32
      %dma_wait3A_148 = tpu.memref_slice %arg12[%run_scoped3A, %dma_wait3A_146, %dma_wait3A_147] : memref<2x128x128xf32, #tpu.memory_space<vmem>> -> memref<1x128x128xf32, #tpu.memory_space<vmem>>
      %dma_wait3A_149 = tpu.memref_squeeze %dma_wait3A_148 : memref<1x128x128xf32, #tpu.memory_space<vmem>> -> memref<128x128xf32, #tpu.memory_space<vmem>>
      %dma_wait3A_150 = arith.constant 0 : i32
      %dma_wait3A_151 = tpu.memref_slice %arg11[%run_scoped3A_97, %dma_wait3A_150] : memref<2x128xi32, #tpu.memory_space<vmem>> -> memref<1x128xi32, #tpu.memory_space<vmem>>
      %dma_wait3A_152 = tpu.memref_squeeze %dma_wait3A_151 : memref<1x128xi32, #tpu.memory_space<vmem>> -> memref<128xi32, #tpu.memory_space<vmem>>
      %dma_wait3A_153 = arith.constant 0 : i32
      %dma_wait3A_154 = arith.constant 0 : i32
      %dma_wait3A_155 = tpu.memref_slice %arg14[%dma_wait3A_153, %dma_wait3A_154] : memref<10240x128xf32, #tpu.memory_space<vmem_shared>> -> memref<10240x128xf32, #tpu.memory_space<vmem_shared>>
      tpu.wait_indirect_dma semaphore(%run_scoped3A_135 : memref<!tpu.dma_semaphore, #tpu.memory_space<semaphore_mem>>) src(%dma_wait3A_149 : memref<128x128xf32, #tpu.memory_space<vmem>>) dst(%dma_wait3A_155 : memref<10240x128xf32, #tpu.memory_space<vmem_shared>>)
      tpu.yield
    }) : () -> ()
    %run_scoped3A_98 = arith.constant 0 : i32
    "tpu.region"() ({
      %run_scoped3A_135 = tpu.sem_alloc : memref<!tpu.dma_semaphore, #tpu.memory_space<semaphore_mem>>
      %dma_start3A_136 = arith.constant 0 : i32
      %dma_start3A_137 = tpu.memref_slice %arg11[%run_scoped3A_98, %dma_start3A_136] : memref<2x128xi32, #tpu.memory_space<vmem>> -> memref<1x128xi32, #tpu.memory_space<vmem>>
      %dma_start3A_138 = tpu.memref_squeeze %dma_start3A_137 : memref<1x128xi32, #tpu.memory_space<vmem>> -> memref<128xi32, #tpu.memory_space<vmem>>
      %dma_start3A_139 = arith.constant 0 : i32
      %dma_start3A_140 = tpu.memref_slice %arg15[%dma_start3A_139] : memref<10240xf32, #tpu.memory_space<vmem_shared>> -> memref<10240xf32, #tpu.memory_space<vmem_shared>>
      tpu.enqueue_indirect_dma source(%arg13 : memref<128xf32, #tpu.memory_space<vmem>>) target(%dma_start3A_140 : memref<10240xf32, #tpu.memory_space<vmem_shared>>) offsets(%dma_start3A_138 : memref<128xi32, #tpu.memory_space<vmem>>) semaphore(%run_scoped3A_135 : memref<!tpu.dma_semaphore, #tpu.memory_space<semaphore_mem>>) {add = true}
      %dma_wait3A_141 = arith.constant 0 : i32
      %dma_wait3A_142 = tpu.memref_slice %arg11[%run_scoped3A_98, %dma_wait3A_141] : memref<2x128xi32, #tpu.memory_space<vmem>> -> memref<1x128xi32, #tpu.memory_space<vmem>>
      %dma_wait3A_143 = tpu.memref_squeeze %dma_wait3A_142 : memref<1x128xi32, #tpu.memory_space<vmem>> -> memref<128xi32, #tpu.memory_space<vmem>>
      %dma_wait3A_144 = arith.constant 0 : i32
      %dma_wait3A_145 = tpu.memref_slice %arg15[%dma_wait3A_144] : memref<10240xf32, #tpu.memory_space<vmem_shared>> -> memref<10240xf32, #tpu.memory_space<vmem_shared>>
      tpu.wait_indirect_dma semaphore(%run_scoped3A_135 : memref<!tpu.dma_semaphore, #tpu.memory_space<semaphore_mem>>) src(%arg13 : memref<128xf32, #tpu.memory_space<vmem>>) dst(%dma_wait3A_145 : memref<10240xf32, #tpu.memory_space<vmem_shared>>)
      tpu.yield
    }) : () -> ()
    %dma_wait3A_99 = arith.constant 79 : i32
    %dma_wait3A_100 = arith.constant 1 : i32
    %dma_wait3A_101 = arith.constant 0 : i32
    %dma_wait3A_102 = arith.constant 0 : i32
    %dma_wait3A_103 = tpu.memref_slice %arg12[%dma_wait3A_100, %dma_wait3A_101, %dma_wait3A_102] : memref<2x128x128xf32, #tpu.memory_space<vmem>> -> memref<1x128x128xf32, #tpu.memory_space<vmem>>
    %dma_wait3A_104 = tpu.memref_squeeze %dma_wait3A_103 : memref<1x128x128xf32, #tpu.memory_space<vmem>> -> memref<128x128xf32, #tpu.memory_space<vmem>>
    %dma_wait3A_105 = arith.constant 0 : i32
    %dma_wait3A_106 = tpu.memref_slice %arg10[%dma_wait3A_99, %dma_wait3A_105] : memref<80x128xi32, #tpu.memory_space<vmem>> -> memref<1x128xi32, #tpu.memory_space<vmem>>
    %dma_wait3A_107 = tpu.memref_squeeze %dma_wait3A_106 : memref<1x128xi32, #tpu.memory_space<vmem>> -> memref<128xi32, #tpu.memory_space<vmem>>
    %dma_wait3A_108 = arith.constant 0 : i32
    %dma_wait3A_109 = arith.constant 0 : i32
    %dma_wait3A_110 = tpu.memref_slice %arg2[%dma_wait3A_108, %dma_wait3A_109] : memref<10240x128xf32, #tpu.memory_space<hbm>> -> memref<10240x128xf32, #tpu.memory_space<hbm>>
    tpu.wait_indirect_dma semaphore(%arg17 : memref<!tpu.dma_semaphore, #tpu.memory_space<semaphore_mem>>) src(%dma_wait3A_110 : memref<10240x128xf32, #tpu.memory_space<hbm>>) dst(%dma_wait3A_104 : memref<128x128xf32, #tpu.memory_space<vmem>>)
    %mul3A_111 = arith.constant 80 : i32
    %mul3A_112 = arith.muli %add3A, %mul3A_111 : i32
    %add3A_113 = arith.constant 79 : i32
    %add3A_114 = arith.addi %mul3A_112, %add3A_113 : i32
    %dma_wait3A_115 = arith.constant 1 : i32
    %dma_wait3A_116 = arith.constant 0 : i32
    %dma_wait3A_117 = tpu.memref_slice %arg11[%dma_wait3A_115, %dma_wait3A_116] : memref<2x128xi32, #tpu.memory_space<vmem>> -> memref<1x128xi32, #tpu.memory_space<vmem>>
    %dma_wait3A_118 = tpu.memref_squeeze %dma_wait3A_117 : memref<1x128xi32, #tpu.memory_space<vmem>> -> memref<128xi32, #tpu.memory_space<vmem>>
    %dma_wait3A_119 = arith.constant 0 : i32
    %dma_wait3A_120 = tpu.memref_slice %arg4[%add3A_114, %dma_wait3A_119] : memref<2560x128xi32, #tpu.memory_space<hbm>> -> memref<1x128xi32, #tpu.memory_space<hbm>>
    %dma_wait3A_121 = tpu.memref_squeeze %dma_wait3A_120 : memref<1x128xi32, #tpu.memory_space<hbm>> -> memref<128xi32, #tpu.memory_space<hbm>>
    %dma_wait3A_122 = arith.constant 0 : i32
    %dma_wait3A_123 = tpu.memref_slice %arg11[%dma_wait3A_115, %dma_wait3A_122] : memref<2x128xi32, #tpu.memory_space<vmem>> -> memref<1x128xi32, #tpu.memory_space<vmem>>
    %dma_wait3A_124 = tpu.memref_squeeze %dma_wait3A_123 : memref<1x128xi32, #tpu.memory_space<vmem>> -> memref<128xi32, #tpu.memory_space<vmem>>
    %dma_wait3A_125 = arith.constant 0 : i32
    %dma_wait3A_126 = tpu.memref_slice %arg4[%add3A_114, %dma_wait3A_125] : memref<2560x128xi32, #tpu.memory_space<hbm>> -> memref<1x128xi32, #tpu.memory_space<hbm>>
    %dma_wait3A_127 = tpu.memref_squeeze %dma_wait3A_126 : memref<1x128xi32, #tpu.memory_space<hbm>> -> memref<128xi32, #tpu.memory_space<hbm>>
    tpu.wait_dma2 semaphore(%arg23 : memref<!tpu.dma_semaphore, #tpu.memory_space<semaphore_mem>>) src(%dma_wait3A_127 : memref<128xi32, #tpu.memory_space<hbm>>) dst(%dma_wait3A_124 : memref<128xi32, #tpu.memory_space<vmem>>)
    %run_scoped3A_128 = arith.constant 1 : i32
    %run_scoped3A_129 = arith.constant 1 : i32
    "tpu.region"() ({
      %run_scoped3A_135 = tpu.sem_alloc : memref<!tpu.dma_semaphore, #tpu.memory_space<semaphore_mem>>
      %dma_start3A_136 = arith.constant 0 : i32
      %dma_start3A_137 = arith.constant 0 : i32
      %dma_start3A_138 = tpu.memref_slice %arg12[%run_scoped3A_128, %dma_start3A_136, %dma_start3A_137] : memref<2x128x128xf32, #tpu.memory_space<vmem>> -> memref<1x128x128xf32, #tpu.memory_space<vmem>>
      %dma_start3A_139 = tpu.memref_squeeze %dma_start3A_138 : memref<1x128x128xf32, #tpu.memory_space<vmem>> -> memref<128x128xf32, #tpu.memory_space<vmem>>
      %dma_start3A_140 = arith.constant 0 : i32
      %dma_start3A_141 = tpu.memref_slice %arg11[%run_scoped3A_129, %dma_start3A_140] : memref<2x128xi32, #tpu.memory_space<vmem>> -> memref<1x128xi32, #tpu.memory_space<vmem>>
      %dma_start3A_142 = tpu.memref_squeeze %dma_start3A_141 : memref<1x128xi32, #tpu.memory_space<vmem>> -> memref<128xi32, #tpu.memory_space<vmem>>
      %dma_start3A_143 = arith.constant 0 : i32
      %dma_start3A_144 = arith.constant 0 : i32
      %dma_start3A_145 = tpu.memref_slice %arg14[%dma_start3A_143, %dma_start3A_144] : memref<10240x128xf32, #tpu.memory_space<vmem_shared>> -> memref<10240x128xf32, #tpu.memory_space<vmem_shared>>
      tpu.enqueue_indirect_dma source(%dma_start3A_139 : memref<128x128xf32, #tpu.memory_space<vmem>>) target(%dma_start3A_145 : memref<10240x128xf32, #tpu.memory_space<vmem_shared>>) offsets(%dma_start3A_142 : memref<128xi32, #tpu.memory_space<vmem>>) semaphore(%run_scoped3A_135 : memref<!tpu.dma_semaphore, #tpu.memory_space<semaphore_mem>>) {add = true}
      %dma_wait3A_146 = arith.constant 0 : i32
      %dma_wait3A_147 = arith.constant 0 : i32
      %dma_wait3A_148 = tpu.memref_slice %arg12[%run_scoped3A_128, %dma_wait3A_146, %dma_wait3A_147] : memref<2x128x128xf32, #tpu.memory_space<vmem>> -> memref<1x128x128xf32, #tpu.memory_space<vmem>>
      %dma_wait3A_149 = tpu.memref_squeeze %dma_wait3A_148 : memref<1x128x128xf32, #tpu.memory_space<vmem>> -> memref<128x128xf32, #tpu.memory_space<vmem>>
      %dma_wait3A_150 = arith.constant 0 : i32
      %dma_wait3A_151 = tpu.memref_slice %arg11[%run_scoped3A_129, %dma_wait3A_150] : memref<2x128xi32, #tpu.memory_space<vmem>> -> memref<1x128xi32, #tpu.memory_space<vmem>>
      %dma_wait3A_152 = tpu.memref_squeeze %dma_wait3A_151 : memref<1x128xi32, #tpu.memory_space<vmem>> -> memref<128xi32, #tpu.memory_space<vmem>>
      %dma_wait3A_153 = arith.constant 0 : i32
      %dma_wait3A_154 = arith.constant 0 : i32
      %dma_wait3A_155 = tpu.memref_slice %arg14[%dma_wait3A_153, %dma_wait3A_154] : memref<10240x128xf32, #tpu.memory_space<vmem_shared>> -> memref<10240x128xf32, #tpu.memory_space<vmem_shared>>
      tpu.wait_indirect_dma semaphore(%run_scoped3A_135 : memref<!tpu.dma_semaphore, #tpu.memory_space<semaphore_mem>>) src(%dma_wait3A_149 : memref<128x128xf32, #tpu.memory_space<vmem>>) dst(%dma_wait3A_155 : memref<10240x128xf32, #tpu.memory_space<vmem_shared>>)
      tpu.yield
    }) : () -> ()
    %run_scoped3A_130 = arith.constant 1 : i32
    "tpu.region"() ({
      %run_scoped3A_135 = tpu.sem_alloc : memref<!tpu.dma_semaphore, #tpu.memory_space<semaphore_mem>>
      %dma_start3A_136 = arith.constant 0 : i32
      %dma_start3A_137 = tpu.memref_slice %arg11[%run_scoped3A_130, %dma_start3A_136] : memref<2x128xi32, #tpu.memory_space<vmem>> -> memref<1x128xi32, #tpu.memory_space<vmem>>
      %dma_start3A_138 = tpu.memref_squeeze %dma_start3A_137 : memref<1x128xi32, #tpu.memory_space<vmem>> -> memref<128xi32, #tpu.memory_space<vmem>>
      %dma_start3A_139 = arith.constant 0 : i32
      %dma_start3A_140 = tpu.memref_slice %arg15[%dma_start3A_139] : memref<10240xf32, #tpu.memory_space<vmem_shared>> -> memref<10240xf32, #tpu.memory_space<vmem_shared>>
      tpu.enqueue_indirect_dma source(%arg13 : memref<128xf32, #tpu.memory_space<vmem>>) target(%dma_start3A_140 : memref<10240xf32, #tpu.memory_space<vmem_shared>>) offsets(%dma_start3A_138 : memref<128xi32, #tpu.memory_space<vmem>>) semaphore(%run_scoped3A_135 : memref<!tpu.dma_semaphore, #tpu.memory_space<semaphore_mem>>) {add = true}
      %dma_wait3A_141 = arith.constant 0 : i32
      %dma_wait3A_142 = tpu.memref_slice %arg11[%run_scoped3A_130, %dma_wait3A_141] : memref<2x128xi32, #tpu.memory_space<vmem>> -> memref<1x128xi32, #tpu.memory_space<vmem>>
      %dma_wait3A_143 = tpu.memref_squeeze %dma_wait3A_142 : memref<1x128xi32, #tpu.memory_space<vmem>> -> memref<128xi32, #tpu.memory_space<vmem>>
      %dma_wait3A_144 = arith.constant 0 : i32
      %dma_wait3A_145 = tpu.memref_slice %arg15[%dma_wait3A_144] : memref<10240xf32, #tpu.memory_space<vmem_shared>> -> memref<10240xf32, #tpu.memory_space<vmem_shared>>
      tpu.wait_indirect_dma semaphore(%run_scoped3A_135 : memref<!tpu.dma_semaphore, #tpu.memory_space<semaphore_mem>>) src(%arg13 : memref<128xf32, #tpu.memory_space<vmem>>) dst(%dma_wait3A_145 : memref<10240xf32, #tpu.memory_space<vmem_shared>>)
      tpu.yield
    }) : () -> ()
    %barrier3A_131 = arith.constant 0 : index
    tpu.barrier barrier_id(%barrier3A_131)
    %mul3A_132 = arith.constant 640 : i32
    %mul3A_133 = arith.muli %arg1, %mul3A_132 : i32
    "tpu.region"() ({
      %run_scoped3A_135 = tpu.sem_alloc : memref<!tpu.dma_semaphore, #tpu.memory_space<semaphore_mem>>
      %dma_start3A_136 = arith.constant 0 : i32
      %dma_start3A_137 = tpu.memref_slice %arg8[%arg0, %mul3A_133, %dma_start3A_136] : memref<2x10240x128xf32, #tpu.memory_space<hbm>> -> memref<1x640x128xf32, #tpu.memory_space<hbm>>
      %dma_start3A_138 = tpu.memref_squeeze %dma_start3A_137 : memref<1x640x128xf32, #tpu.memory_space<hbm>> -> memref<640x128xf32, #tpu.memory_space<hbm>>
      %dma_start3A_139 = arith.constant 0 : i32
      %dma_start3A_140 = tpu.memref_slice %arg14[%mul3A_133, %dma_start3A_139] : memref<10240x128xf32, #tpu.memory_space<vmem_shared>> -> memref<640x128xf32, #tpu.memory_space<vmem_shared>>
      tpu.enqueue_dma source(%dma_start3A_140 : memref<640x128xf32, #tpu.memory_space<vmem_shared>>) target(%dma_start3A_138 : memref<640x128xf32, #tpu.memory_space<hbm>>) target_semaphore(%run_scoped3A_135 : memref<!tpu.dma_semaphore, #tpu.memory_space<semaphore_mem>>)
      %dma_wait3A_141 = arith.constant 0 : i32
      %dma_wait3A_142 = tpu.memref_slice %arg8[%arg0, %mul3A_133, %dma_wait3A_141] : memref<2x10240x128xf32, #tpu.memory_space<hbm>> -> memref<1x640x128xf32, #tpu.memory_space<hbm>>
      %dma_wait3A_143 = tpu.memref_squeeze %dma_wait3A_142 : memref<1x640x128xf32, #tpu.memory_space<hbm>> -> memref<640x128xf32, #tpu.memory_space<hbm>>
      %dma_wait3A_144 = arith.constant 0 : i32
      %dma_wait3A_145 = tpu.memref_slice %arg14[%mul3A_133, %dma_wait3A_144] : memref<10240x128xf32, #tpu.memory_space<vmem_shared>> -> memref<640x128xf32, #tpu.memory_space<vmem_shared>>
      tpu.wait_dma2 semaphore(%run_scoped3A_135 : memref<!tpu.dma_semaphore, #tpu.memory_space<semaphore_mem>>) src(%dma_wait3A_145 : memref<640x128xf32, #tpu.memory_space<vmem_shared>>) dst(%dma_wait3A_143 : memref<640x128xf32, #tpu.memory_space<hbm>>)
      tpu.yield
    }) : () -> ()
    %run_scoped3A_134 = arith.constant 0 : i32
    "tpu.region"() ({
      %run_scoped3A_135 = tpu.sem_alloc : memref<!tpu.dma_semaphore, #tpu.memory_space<semaphore_mem>>
      %dma_start3A_136 = arith.constant 0 : i32
      %dma_start3A_137 = tpu.memref_slice %arg9[%arg0, %arg1, %run_scoped3A_134, %dma_start3A_136] : memref<2x16x1x640xf32, #tpu.memory_space<hbm>> -> memref<1x1x1x640xf32, #tpu.memory_space<hbm>>
      %dma_start3A_138 = tpu.memref_squeeze %dma_start3A_137 : memref<1x1x1x640xf32, #tpu.memory_space<hbm>> -> memref<640xf32, #tpu.memory_space<hbm>>
      %dma_start3A_139 = tpu.memref_slice %arg15[%mul3A_133] : memref<10240xf32, #tpu.memory_space<vmem_shared>> -> memref<640xf32, #tpu.memory_space<vmem_shared>>
      tpu.enqueue_dma source(%dma_start3A_139 : memref<640xf32, #tpu.memory_space<vmem_shared>>) target(%dma_start3A_138 : memref<640xf32, #tpu.memory_space<hbm>>) target_semaphore(%run_scoped3A_135 : memref<!tpu.dma_semaphore, #tpu.memory_space<semaphore_mem>>)
      %dma_wait3A_140 = arith.constant 0 : i32
      %dma_wait3A_141 = tpu.memref_slice %arg9[%arg0, %arg1, %run_scoped3A_134, %dma_wait3A_140] : memref<2x16x1x640xf32, #tpu.memory_space<hbm>> -> memref<1x1x1x640xf32, #tpu.memory_space<hbm>>
      %dma_wait3A_142 = tpu.memref_squeeze %dma_wait3A_141 : memref<1x1x1x640xf32, #tpu.memory_space<hbm>> -> memref<640xf32, #tpu.memory_space<hbm>>
      %dma_wait3A_143 = tpu.memref_slice %arg15[%mul3A_133] : memref<10240xf32, #tpu.memory_space<vmem_shared>> -> memref<640xf32, #tpu.memory_space<vmem_shared>>
      tpu.wait_dma2 semaphore(%run_scoped3A_135 : memref<!tpu.dma_semaphore, #tpu.memory_space<semaphore_mem>>) src(%dma_wait3A_143 : memref<640xf32, #tpu.memory_space<vmem_shared>>) dst(%dma_wait3A_142 : memref<640xf32, #tpu.memory_space<hbm>>)
      tpu.yield
    }) : () -> ()
    return
  }
}

module attributes {stable_mosaic.version = 14 : i64} {
  func.func @body(%arg0: i32, %arg1: memref<512x128xf32, #tpu.memory_space<vmem>>, %arg2: memref<2x512x128xf32, #tpu.memory_space<vmem>>, %arg3: memref<512x2xf32, #tpu.memory_space<vmem>>, %arg4: memref<128x128xf32, #tpu.memory_space<vmem>>, %arg5: memref<128x128xf32, #tpu.memory_space<vmem>>, %arg6: memref<1x128xf32, #tpu.memory_space<vmem>>, %arg7: memref<512x128xf32, #tpu.memory_space<vmem>>) attributes {dimension_semantics = [#tpu.dimension_semantics<arbitrary>], iteration_bounds = array<i64: 20>, scalar_prefetch = 0 : i64, scratch_operands = 0 : i64, tpu.core_type = #tpu.core_type<tc>, window_params = [{transform_indices = @transform_0, window_bounds = array<i64: 512, 128>}, {transform_indices = @transform_1, window_bounds = array<i64: 2, 512, 128>}, {transform_indices = @transform_2, window_bounds = array<i64: 512, 2>}, {pipeline_mode = #tpu.pipeline_mode<synchronous>, transform_indices = @transform_3, window_bounds = array<i64: 128, 128>}, {pipeline_mode = #tpu.pipeline_mode<synchronous>, transform_indices = @transform_4, window_bounds = array<i64: 128, 128>}, {pipeline_mode = #tpu.pipeline_mode<synchronous>, transform_indices = @transform_5, window_bounds = array<i64: 1, 128>}, {transform_indices = @transform_6, window_bounds = array<i64: 512, 128>}]} {
    %get3A = arith.constant 0 : index
    %get3A_0 = arith.constant 0 : index
    %get3A_1 = arith.constant 0 : index
    %get3A_2 = vector.load %arg2[%get3A, %get3A_0, %get3A_1] : memref<2x512x128xf32, #tpu.memory_space<vmem>>, vector<1x512x128xf32>
    %get3A_3 = vector.shape_cast %get3A_2 : vector<1x512x128xf32> to vector<512x128xf32>
    %get3A_4 = arith.constant 1 : index
    %get3A_5 = arith.constant 0 : index
    %get3A_6 = arith.constant 0 : index
    %get3A_7 = vector.load %arg2[%get3A_4, %get3A_5, %get3A_6] : memref<2x512x128xf32, #tpu.memory_space<vmem>>, vector<1x512x128xf32>
    %get3A_8 = vector.shape_cast %get3A_7 : vector<1x512x128xf32> to vector<512x128xf32>
    %add3A = arith.addf %get3A_3, %get3A_8 : vector<512x128xf32>
    %get3A_9 = arith.constant 0 : index
    %get3A_10 = arith.constant 0 : index
    %get3A_11 = vector.load %arg3[%get3A_9, %get3A_10] : memref<512x2xf32, #tpu.memory_space<vmem>>, vector<512x1xf32>
    %get3A_12 = arith.constant 0 : index
    %get3A_13 = arith.constant 1 : index
    %get3A_14 = vector.load %arg3[%get3A_12, %get3A_13] : memref<512x2xf32, #tpu.memory_space<vmem>>, vector<512x1xf32>
    %add3A_15 = arith.addf %get3A_11, %get3A_14 : vector<512x1xf32>
    %max3A = arith.constant 1.000000e+00 : f32
    %max3A_16 = vector.broadcast %max3A : f32 to vector<512x1xf32>
    %max3A_17 = arith.maximumf %add3A_15, %max3A_16 : vector<512x1xf32>
    %div3A = vector.broadcast %max3A_17 : vector<512x1xf32> to vector<512x128xf32>
    %div3A_18 = arith.divf %add3A, %div3A : vector<512x128xf32>
    %get3A_19 = arith.constant 0 : index
    %get3A_20 = arith.constant 0 : index
    %get3A_21 = vector.load %arg1[%get3A_19, %get3A_20] : memref<512x128xf32, #tpu.memory_space<vmem>>, vector<512x128xf32>
    %get3A_22 = arith.constant 0 : index
    %get3A_23 = arith.constant 0 : index
    %get3A_24 = vector.load %arg4[%get3A_22, %get3A_23] : memref<128x128xf32, #tpu.memory_space<vmem>>, vector<128x128xf32>
    %dot_general3A = arith.constant dense<0.000000e+00> : vector<512x128xf32>
    %dot_general3A_25 = tpu.matmul %get3A_21, %get3A_24, %dot_general3A {dimension_numbers = #tpu.dot_dimension_numbers<[1], [0], [0], [1], [0, 0, 1, 1], [], []>, transpose_lhs_hint = false} : vector<512x128xf32>, vector<128x128xf32>, vector<512x128xf32> -> vector<512x128xf32>
    %get3A_26 = arith.constant 0 : index
    %get3A_27 = arith.constant 0 : index
    %get3A_28 = vector.load %arg5[%get3A_26, %get3A_27] : memref<128x128xf32, #tpu.memory_space<vmem>>, vector<128x128xf32>
    %dot_general3A_29 = arith.constant dense<0.000000e+00> : vector<512x128xf32>
    %dot_general3A_30 = tpu.matmul %div3A_18, %get3A_28, %dot_general3A_29 {dimension_numbers = #tpu.dot_dimension_numbers<[1], [0], [0], [1], [0, 0, 1, 1], [], []>, transpose_lhs_hint = false} : vector<512x128xf32>, vector<128x128xf32>, vector<512x128xf32> -> vector<512x128xf32>
    %add3A_31 = arith.addf %dot_general3A_25, %dot_general3A_30 : vector<512x128xf32>
    %get3A_32 = arith.constant 0 : index
    %get3A_33 = arith.constant 0 : index
    %get3A_34 = vector.load %arg6[%get3A_32, %get3A_33] : memref<1x128xf32, #tpu.memory_space<vmem>>, vector<1x128xf32>
    %add3A_35 = vector.broadcast %get3A_34 : vector<1x128xf32> to vector<512x128xf32>
    %add3A_36 = arith.addf %add3A_31, %add3A_35 : vector<512x128xf32>
    %logistic3A = arith.negf %add3A_36 : vector<512x128xf32>
    %logistic3A_37 = math.exp %logistic3A : vector<512x128xf32>
    %logistic3A_38 = arith.constant 1.000000e+00 : f32
    %logistic3A_39 = vector.broadcast %logistic3A_38 : f32 to vector<512x128xf32>
    %logistic3A_40 = arith.addf %logistic3A_39, %logistic3A_37 : vector<512x128xf32>
    %logistic3A_41 = arith.divf %logistic3A_39, %logistic3A_40 : vector<512x128xf32>
    %swap3A = arith.constant 0 : index
    %swap3A_42 = arith.constant 0 : index
    %swap3A_43 = vector.load %arg7[%swap3A, %swap3A_42] : memref<512x128xf32, #tpu.memory_space<vmem>>, vector<512x128xf32>
    tpu.vector_store %arg7[%swap3A, %swap3A_42], %logistic3A_41 {strides = array<i32>} : memref<512x128xf32, #tpu.memory_space<vmem>>, vector<512x128xf32>,
    return
  }
  func.func @transform_0(%arg0: i32) -> (i32, i32) {
    %c0_i32 = arith.constant 0 : i32
    %c0_i32_0 = arith.constant 0 : i32
    return %arg0, %c0_i32 : i32, i32
  }
  func.func @transform_1(%arg0: i32) -> (i32, i32, i32) {
    %c0_i32 = arith.constant 0 : i32
    %c0_i32_0 = arith.constant 0 : i32
    %c0_i32_1 = arith.constant 0 : i32
    return %c0_i32, %arg0, %c0_i32_0 : i32, i32, i32
  }
  func.func @transform_2(%arg0: i32) -> (i32, i32) {
    %c0_i32 = arith.constant 0 : i32
    %c0_i32_0 = arith.constant 0 : i32
    return %arg0, %c0_i32 : i32, i32
  }
  func.func @transform_3(%arg0: i32) -> (i32, i32) {
    %c0_i32 = arith.constant 0 : i32
    %c0_i32_0 = arith.constant 0 : i32
    %c0_i32_1 = arith.constant 0 : i32
    return %c0_i32, %c0_i32_0 : i32, i32
  }
  func.func @transform_4(%arg0: i32) -> (i32, i32) {
    %c0_i32 = arith.constant 0 : i32
    %c0_i32_0 = arith.constant 0 : i32
    %c0_i32_1 = arith.constant 0 : i32
    return %c0_i32, %c0_i32_0 : i32, i32
  }
  func.func @transform_5(%arg0: i32) -> (i32, i32) {
    %c0_i32 = arith.constant 0 : i32
    %c0_i32_0 = arith.constant 0 : i32
    %c0_i32_1 = arith.constant 0 : i32
    return %c0_i32, %c0_i32_0 : i32, i32
  }
  func.func @transform_6(%arg0: i32) -> (i32, i32) {
    %c0_i32 = arith.constant 0 : i32
    %c0_i32_0 = arith.constant 0 : i32
    return %arg0, %c0_i32 : i32, i32
  }
}

</mosaic_0001>

<sc_bundles>
// kernel: kernel.5.cloned.1.call-start
scs
__scs_entry_jumppad:
0x0: {  	(pc) =	sbr.rel $0x88, $3  }
0x1: {  	(tag) =	ssettag $0x0;
	lr =	simm.s32 $0x1  }
0x2: {  	[smem:$0x3F99] =	sst lr;
	_ =	strace $0xD0000000  }
0x3: {  	_ = 	snop  }
0x4: {  	_ = 	snop  }
0x5: {  	_ = 	snop  }
0x6: {  	_ = 	snop  }
0x7: {  	_ = 	snop  }
__scs_overlays_trampoline_lowered:
0x8: {  	[smem:$0x3FA8] =	sst s0  }
0x9: {  	[smem:$0x3FA9] =	sst s1  }
0xa: {  	[smem:$0x3FAA] =	sst s2  }
0xb: {  	[smem:$0x3FAB] =	sst s3  }
0xc: {  	[smem:$0x3FAC] =	sst s4  }
0xd: {  	[smem:$0x3FAD] =	sst s5  }
0xe: {  	[smem:$0x3FAE] =	sst s6  }
0xf: {  	[smem:$0x3FAF] =	sst s7  }
0x10: {  	[smem:$0x3FB0] =	sst s8  }
0x11: {  	[smem:$0x3FB1] =	sst s9;
	s0 =	simm.s32 @!p0 $0x0  }
0x12: {  	s1 =	sld [smem:$0x3F97];
	s0 =	simm.s32 @p0 $0x1  }
0x13: {  	[smem:$0x3FB2] =	sst s0;
	s0 =	simm.s32 @!p1 $0x0  }
0x14: {  	s2 =	sld [smem:$0x3F96];
	s0 =	simm.s32 @p1 $0x1  }
0x15: {  	[smem:$0x3FB3] =	sst s0;
	s0 =	simm.s32 @!p2 $0x0  }
0x16: {  	s3 =	sld [smem:$0x3FDB];
	s0 =	simm.s32 @p2 $0x1  }
0x17: {  	s4 =	simm.s32 $0x1BF5;
	[smem:$0x3FB5] =	sst s0  }
0x18: {  	s0 =	sld [smem:$0x3F98];
	_ =	swait.ge [sflag:s4], $0x0  }
0x19: {  	s7 =	sld [smem:$0x3F99]  }
0x1a: {  	s8 =	sadd.s32 $0xFFFFE003, lr  }
0x1b: {  	s9 =	sadd.s32 $0xFFFFFEF7, lr;
	s5 =	simm.s32 $0xFFFFFFFF;
	p2 =	slt.u32 s8, $0xFFFFF086  }
0x1c: {  	p1 =	slt.u32 s9, $0xF7A;
	s5 =	simm.s32 @!p2 $0x0  }
0x1d: {  	s5 =	simm.s32 @p1 $0x1;
	p0 =	seq.s32 s7, s2  }
0x1e: {  	s7 =	smul.u32 @!p0 $0xF7A, s2;
	p2 =	seq.s32 @!p0 s5, $0x0  }
0x1f: {  	s9 =	smul.u32 $0xF7A, s1;
	s8 =	simm.s32 @!p0 $0x1BF5;
	p2 =	por !p2, p0  }
0x20: {  	[sflag:s8] =	ssyncset.s32 @!p0 $0xFFFFF086;
	s6 =	sadd.s32 @!p0 s3, s7;
	s7 =	simm.s32 @!p0 $0x108  }
0x21: {  	s3 =	sadd.s32 s3, s9;
	s6 =	sadd.s32 @!p0 $0x88, s6;
	s7 =	simm.s32 @p2 $0x1082  }
0x22: {  	[simem:s7], [sflag:s8] =	dma.local @!p0 [hbm:s6], $0xF7A  }
0x23: {  	s9 =	sor.u32 $0xD0000000, s2;
	s6 =	simm.s32 $0x108;
	_ =	swait.ge @!p0 [sflag:s8], $0x0  }
0x24: {  	s3 =	sadd.s32 $0x88, s3;
	s6 =	simm.s32 @!p1 $0x1082;
	[sflag:s4] =	ssyncset.s32 $0xFFFFF086  }
0x25: {  	[simem:s6], [sflag:s4] =	dma.local [hbm:s3], $0xF7A  }
0x26: {  	[smem:$0x3F99] =	sst s1;
	(tag) =	ssettag s2;
	_ =	strace s9  }
0x27: {  	s1 =	sld [smem:$0x3FA9]  }
0x28: {  	s2 =	sld [smem:$0x3FAA]  }
0x29: {  	s4 =	sld [smem:$0x3FAC]  }
0x2a: {  	p0 =	seq.s32 s5, $0x0;
	s5 =	sld [smem:$0x3FAD]  }
0x2b: {  	s6 =	sld [smem:$0x3FAE]  }
0x2c: {  	s7 =	sld [smem:$0x3FAF]  }
0x2d: {  	s3 =	simm.s32 $0x108;
	s8 =	sld [smem:$0x3FB0]  }
0x2e: {  	s3 =	simm.s32 @!p0 $0x1082;
	s9 =	sld [smem:$0x3FB1]  }
0x2f: {  	lr =	sadd.s32 s0, s3;
	s0 =	sld [smem:$0x3FA8]  }
0x30: {  	s3 =	sld [smem:$0x3FAB]  }
0x31: {  	[smem:$0x3FB4] =	sst s10  }
0x32: {  	s10 =	sld [smem:$0x3FB2];
	_ =	sdelay $0x3  }
0x33: {  	p0 =	seq.s32 s10, $0x1;
	s10 =	sld [smem:$0x3FB4];
	_ =	sdelay $0x3  }
0x34: {  	[smem:$0x3FB4] =	sst s10  }
0x35: {  	s10 =	sld [smem:$0x3FB3];
	_ =	sdelay $0x3  }
0x36: {  	p1 =	seq.s32 s10, $0x1;
	s10 =	sld [smem:$0x3FB4];
	_ =	sdelay $0x3  }
0x37: {  	[smem:$0x3FB4] =	sst s10  }
0x38: {  	s10 =	sld [smem:$0x3FB5]  }
0x39: {  	_ = 	snop;
	(pc) =	sbr.ind lr, $3  }
0x3a: {  	_ = 	snop  }
0x3b: {  	_ = 	snop  }
0x3c: {  	p2 =	seq.s32 s10, $0x1;
	s10 =	sld [smem:$0x3FB4]  }
0x3d: {  	_ =	shalt  }
0x3e: {  	_ =	shalt  }
0x3f: {  	_ =	shalt  }
0x40: {  	_ =	shalt  }
0x41: {  	_ =	shalt  }
0x42: {  	_ =	shalt  }
0x43: {  	_ =	shalt  }
0x44: {  	_ =	shalt  }
0x45: {  	_ =	shalt  }
0x46: {  	_ =	shalt  }
0x47: {  	_ =	shalt  }
0x48: {  	_ =	shalt  }
0x49: {  	_ =	shalt  }
0x4a: {  	_ =	shalt  }
0x4b: {  	_ =	shalt  }
0x4c: {  	_ =	shalt  }
0x4d: {  	_ =	shalt  }
0x4e: {  	_ =	shalt  }
0x4f: {  	_ =	shalt  }
0x50: {  	_ =	shalt  }
0x51: {  	_ =	shalt  }
0x52: {  	_ =	shalt  }
0x53: {  	_ =	shalt  }
0x54: {  	_ =	shalt  }
0x55: {  	_ =	shalt  }
0x56: {  	_ =	shalt  }
0x57: {  	_ =	shalt  }
0x58: {  	_ =	shalt  }
0x59: {  	_ =	shalt  }
0x5a: {  	_ =	shalt  }
0x5b: {  	_ =	shalt  }
0x5c: {  	_ =	shalt  }
0x5d: {  	_ =	shalt  }
0x5e: {  	_ =	shalt  }
0x5f: {  	_ =	shalt  }
0x60: {  	_ =	shalt  }
0x61: {  	_ =	shalt  }
0x62: {  	_ =	shalt  }
0x63: {  	_ =	shalt  }
0x64: {  	_ =	shalt  }
0x65: {  	_ =	shalt  }
0x66: {  	_ =	shalt  }
0x67: {  	_ =	shalt  }
0x68: {  	_ =	shalt  }
0x69: {  	_ =	shalt  }
0x6a: {  	_ =	shalt  }
0x6b: {  	_ =	shalt  }
0x6c: {  	_ =	shalt  }
0x6d: {  	_ =	shalt  }
0x6e: {  	_ =	shalt  }
0x6f: {  	_ =	shalt  }
0x70: {  	_ =	shalt  }
0x71: {  	_ =	shalt  }
0x72: {  	_ =	shalt  }
0x73: {  	_ =	shalt  }
0x74: {  	_ =	shalt  }
0x75: {  	_ =	shalt  }
0x76: {  	_ =	shalt  }
0x77: {  	_ =	shalt  }
0x78: {  	_ =	shalt  }
0x79: {  	_ =	shalt  }
0x7a: {  	_ =	shalt  }
0x7b: {  	_ =	shalt  }
0x7c: {  	_ =	shalt  }
0x7d: {  	_ =	shalt  }
0x7e: {  	_ =	shalt  }
0x7f: {  	_ =	shalt  }
0x80: {  	_ =	shalt  }
0x81: {  	_ =	shalt  }
0x82: {  	_ =	shalt  }
0x83: {  	_ =	shalt  }
0x84: {  	_ =	shalt  }
0x85: {  	_ =	shalt  }
0x86: {  	_ =	shalt  }
0x87: {  	_ =	shalt  }
.Lfunc_end0:
.L_simem_size_0:
called_computation_lowered:
.L_overlay_start_0:
0x88: {  	s2 =	sld [smem:$0x3FD9]  }
0x89: {  	s3 =	sld [smem:$0x3FFE];
	_ =	sdelay $0x1  }
0x8a: {  	s1 =	srdreg.scid  }
0x8b: {  	s0 =	sand.u32 $0x1, s1  }
0x8c: {  	s17 =	sshll.u32 s0, $0xA;
	s2 =	sadd.s32 s3, s2  }
0x8d: {  	s2 =	sadd.s32 s2, s17  }
0x8e: {  	[smem:$0x3FC0] =	sst s2  }
0x8f: {  	_ = 	snop  }
0x90: {  	s2 =	sld [smem:$0x3FC9]  }
0x91: {  	s18 =	sld [smem:$0x3FC8];
	(tm) =	ssettm $0x1  }
0x92: {  	s4 =	sld [smem:$0x3FFB];
	_ =	sdelay $0x3  }
0x93: {  	_ =	strace s4  }
0x94: {  	s4 =	sld [smem:$0x3FFC];
	_ =	sdelay $0x3  }
0x95: {  	_ =	strace s4  }
0x96: {  	s4 =	sld [smem:$0x3FFD];
	_ =	sdelay $0x3  }
0x97: {  	_ =	strace s4  }
0x98: {  	_ =	strace $0x8FFFFFFF  }
0x99: {  	s19 =	sld [smem:$0x3FDB];
	_ =	sdelay $0x1  }
0x9a: {  	s5 =	simm.s32 $_scs_section_size  }
0x9b: {  	s6 =	simm.s32 $_size__tile_overlayer_lowered;
	s7 =	simm.s32 $_tile_overlayer_lowered  }
0x9c: {  	s22 =	simm.s32 $0x1BFF;
	s21 =	sshll.u32 s7, $0x1;
	s4 =	sadd.s32 s5, s19  }
0x9d: {  	s8 =	simm.s32 $0x0;
	s20 =	sshll.u32 s6, $0x1;
	s6 =	sadd.s32 s21, s4  }
0x9e: {  	[timem:s8], [sflag:s22] =	dma.local [hbm:s6], s20  }
0x9f: {  	_ =	swait.ge [sflag:s22], s20  }
0xa0: {  	s5 =	ssub.s32 $0x0, s20;
	[sflag:s22] =	ssyncset.done $0x0  }
0xa1: {  	[sflag:s22] =	ssyncadd.s32 s5;
	_ =	sdelay $0x1  }
0xa2: {  	s23 =	simm.s32 $0x1B8B  }
0xa3: {  	_ =	swait.ge [sflag:s23], $0x1  }
0xa4: {  	[sflag:s23] =	ssyncset.done $0x0  }
0xa5: {  	s25 =	simm.s32 $0x1B8E;
	s24 =	sld [smem:$0x3FFE];
	[sflag:s23] =	ssyncadd.s32 $0xFFFFFFFF  }
0xa6: {  	s26 =	simm.s32 $execute0_lowered;
	[smem:$0x3FD2] =	sst s25  }
0xa7: {  	s6 =	sshll.u32 s26, $0x1;
	_ =	strace $0x80000046;
	[dreg:$0x1] =	wrdreg $0xFFFFFFFF  }
0xa8: {  	s28 =	simm.s32 $_size_execute0_lowered;
	s4 =	sadd.s32 s4, s6;
	[dreg:$0x0] =	wrdreg $0x0  }
0xa9: {  	s6 =	sshll.u32 s28, $0x1;
	[dreg:$0x2] =	wrdreg s4  }
0xaa: {  	[dreg:$0x3] =	wrdreg s6  }
0xab: {  	[dreg:$0x4] =	wrdreg $0xC0  }
0xac: {  	_ =	task [dreg:s8], $0x5FFFF  }
0xad: {  	[dreg:$0x1] =	wrdreg $0xFFFFFFFF  }
0xae: {  	[dreg:$0x0] =	wrdreg $0x60  }
0xaf: {  	[dreg:$0x2] =	wrdreg s2  }
0xb0: {  	[dreg:$0x3] =	wrdreg s18  }
0xb1: {  	[dreg:$0x4] =	wrdreg s24  }
0xb2: {  	[dreg:$0x5] =	wrdreg $0x9  }
0xb3: {  	_ =	task.clear_ibuf [dreg:s8], $0x6FFFF;
	_ =	strace $0x90000046  }
0xb4: {  	s29 =	simm.s32 $0x9;
	_ =	strace $0x80000048  }
0xb5: {  	_ =	swait.ge [sflag:s29], $0x1  }
0xb6: {  	[sflag:s29] =	ssyncadd.s32 $0xFFFFFFFF  }
0xb7: {  	_ =	strace $0x90000048  }
0xb8: {  	_ =	sfence  }
0xb9: {  	s30 =	sld [smem:$0x0];
	_ =	sdelay $0x2  }
0xba: {  	s31 =	sshll.u32 s1, $0xD;
	s1 =	sshrl.u32 s1, $0x2  }
0xbb: {  	s3 =	sand.u32 $0x4000, s31;
	s1 =	sadd.s32 s1, s30  }
0xbc: {  	s0 =	sor.u32 s3, s0;
	s1 =	sshll.u32 s1, $0x11  }
0xbd: {  	s0 =	sor.u32 s1, s0  }
0xbe: {  	s0 =	sadd.s32 $0x8F2B, s0  }
0xbf: {  	[sflag:s0] =	ssyncadd.remote.s32 $0x1  }
0xc0: {  	_ =	sfence.sel $0xFFFF  }
0xc1: {  	[dreg:$0x0] =	wrdreg $0xFFFFFFFF;
	(pc) =	sbr.abs _section_cstart, $3  }
0xc2: {  	[dreg:$0x1] =	wrdreg $0xFFFFFFFF  }
0xc3: {  	_ =	task.clear_ibuf [dreg:s8], $0x2FFFF;
	_ =	strace $0x9FFFFFFF  }
0xc4: {  	(tm) =	ssettm $0x7FFFFFFF  }
0xc5: {  	_ =	shalt  }
tec
execute0_lowered:
.L_overlay_start_1:
0x0: {  	(tag) =	ssettag $0x1  }
0x1: {  	s2 =	rddreg [dreg:$0x0];
	s0 =	srdreg.scid  }
0x2: {  	s3 =	rddreg [dreg:$0x1];
	s17 =	sand.u32 $0x1, s0  }
0x3: {  	s16 =	rddreg [dreg:$0x2];
	s1 =	stileid.u32;
	s5 =	sshll.u32 s17, $0x4  }
0x4: {  	s4 =	simm.s32 $0x0;
	s0 =	rddreg [dreg:$0x3];
	s11 =	sor.u32 s1, s5  }
0x5: {  	[smem:$0x7FF] =	sst s4;
	s10 =	sadd.s32 $0x1400, s16;
	s18 =	sshll.u32 s11, $0x4  }
0x6: {  	_ =	strace $0x80000047;
	s5 =	simm.s32 $0x2;
	s6 =	sadd.s32 s10, s18  }
0x7: {  	[tilespmem:s4], [sflag:$0x2] =	stream.linear.gather [hbm4b:s6+s4], $0x80, $0x38;
	[tilespmem:$0x4080] =	vst v63  }
0x8: {  	_ =	swait.ge [sflag:s5], $0x80  }
0x9: {  	[sflag:s5] =	ssyncset.done $0x0  }
0xa: {  	s7 =	simm.s32 $0x80;
	s8 =	simm.s32 $0x1;
	[sflag:s5] =	ssyncadd.s32 $0xFFFFFF80  }
0xb: {  	[tilespmem:s7], [sflag:$0x1] =	stream.indirect.gather [hbm4b:s2+s7], $0x80, s4, s7, $0xb8;
	[tilespmem:$0x4080] =	vst v63  }
0xc: {  	_ =	swait.ge [sflag:s8], $0x4000  }
0xd: {  	s15 =	sadd.s32 $0x1800, s16;
	s9 =	sshll.u32 s11, $0xB;
	[sflag:s8] =	ssyncset.done $0x0  }
0xe: {  	s9 =	sadd.s32 s15, s9;
	[sflag:s8] =	ssyncadd.s32 $0xFFFFC000  }
0xf: {  	[hbm4b:s9+s4] =	stream.linear.scatter [tilespmem:s7], [sflag:$0x2], $0x4000, $0x38;
	[tilespmem:$0x4080] =	vst v63  }
0x10: {  	s19 =	sor.u32 $0x20, s11;
	p0 =	sgt.u32 s11, $0xE;
	_ =	swait.ge [sflag:s5], $0x4000  }
0x11: {  	s12 =	sshll.u32 s19, $0x4;
	s11 =	simm.s32 @!p0 $0x0;
	[sflag:s5] =	ssyncset.done $0x0  }
0x12: {  	s10 =	sadd.s32 s10, s12;
	s12 =	simm.s32 @!p0 $0x2;
	[sflag:s5] =	ssyncadd.s32 $0xFFFFC000  }
0x13: {  	[tilespmem:s11], [sflag:$0x2] =	stream.linear.gather @!p0 [hbm4b:s10+s11], $0x80, $0x38;
	[tilespmem:$0x4080] =	vst v63  }
0x14: {  	_ =	swait.ge @!p0 [sflag:s12], $0x80  }
0x15: {  	[sflag:s12] =	ssyncset.done @!p0 $0x0  }
0x16: {  	s13 =	simm.s32 @!p0 $0x80;
	s14 =	simm.s32 @!p0 $0x1;
	[sflag:s12] =	ssyncadd.s32 @!p0 $0xFFFFFF80  }
0x17: {  	[tilespmem:s13], [sflag:$0x1] =	stream.indirect.gather @!p0 [hbm4b:s2+s13], $0x80, s11, s13, $0xb8;
	[tilespmem:$0x4080] =	vst v63  }
0x18: {  	_ =	swait.ge @!p0 [sflag:s14], $0x4000  }
0x19: {  	s19 =	sshll.u32 s19, $0xB;
	[sflag:s14] =	ssyncset.done @!p0 $0x0  }
0x1a: {  	s15 =	sadd.s32 s15, s19;
	[sflag:s14] =	ssyncadd.s32 @!p0 $0xFFFFC000  }
0x1b: {  	[hbm4b:s15+s11] =	stream.linear.scatter @!p0 [tilespmem:s13], [sflag:$0x2], $0x4000, $0x38;
	[tilespmem:$0x4080] =	vst v63  }
0x1c: {  	_ =	swait.ge @!p0 [sflag:s12], $0x4000  }
0x1d: {  	s17 =	ssub.s32 $0x2, s17;
	s16 =	sadd.s32 s18, s16;
	[sflag:s12] =	ssyncset.done @!p0 $0x0  }
0x1e: {  	s31 =	sshrl.u32 s17, $0x1;
	s16 =	sadd.s32 $0x1200, s16;
	[sflag:s12] =	ssyncadd.s32 @!p0 $0xFFFFC000  }
0x1f: {  	[tilespmem:s4], [sflag:$0x2] =	stream.linear.gather [hbm4b:s16+s4], $0x80, $0x38;
	[tilespmem:$0x4080] =	vst v63  }
0x20: {  	s17 =	ssub.s32 s17, s31;
	_ =	swait.ge [sflag:s5], $0x80  }
0x21: {  	s18 =	smax.u32 s17, $0x1;
	[sflag:s5] =	ssyncset.done $0x0  }
0x22: {  	s18 =	sadd.s32 $0xFFFFFFFF, s18;
	[sflag:s5] =	ssyncadd.s32 $0xFFFFFF80  }
0x23: {  	[tilespmem:s7], [sflag:$0x1] =	stream.indirect.gather [hbm4b:s3+s7], $0x80, s4, s7, $0xb8;
	[tilespmem:$0x4080] =	vst v63  }
0x24: {  	p1 =	sne.s32 s18, $0x0;
	_ =	swait.ge [sflag:s8], $0x4000  }
.Ltmp0:
0x25: {  	[sflag:s8] =	ssyncset.done $0x0;
	(pc) =	sbr.rel @!p1 .LBB2_2-.Ltmp0, $4  }
0x26: {  	s17 =	sadd.s32 $0x17800, s9;
	[sflag:s8] =	ssyncadd.s32 $0xFFFFC000  }
0x27: {  	[hbm4b:s17+s4] =	stream.linear.scatter [tilespmem:s7], [sflag:$0x2], $0x4000, $0x38;
	[tilespmem:$0x4080] =	vst v63  }
0x28: {  	_ =	swait.ge [sflag:s5], $0x4000  }
0x29: {  	[sflag:s5] =	ssyncset.done $0x0  }
.LBB2_1:
0x2a: {  	s18 =	sadd.s32 $0xFFFFFFFF, s18;
	[sflag:s5] =	ssyncadd.s32 $0xFFFFC000  }
0x2b: {  	[tilespmem:s4], [sflag:$0x2] =	stream.linear.gather [hbm4b:s6+s4], $0x80, $0x38;
	[tilespmem:$0x4080] =	vst v63  }
0x2c: {  	p1 =	sne.s32 s18, $0x0;
	_ =	swait.ge [sflag:s5], $0x80  }
0x2d: {  	[sflag:s5] =	ssyncset.done $0x0  }
0x2e: {  	[sflag:s5] =	ssyncadd.s32 $0xFFFFFF80  }
0x2f: {  	[tilespmem:s7], [sflag:$0x1] =	stream.indirect.gather [hbm4b:s2+s7], $0x80, s4, s7, $0xb8;
	[tilespmem:$0x4080] =	vst v63  }
0x30: {  	_ =	swait.ge [sflag:s8], $0x4000  }
0x31: {  	[sflag:s8] =	ssyncset.done $0x0  }
0x32: {  	[sflag:s8] =	ssyncadd.s32 $0xFFFFC000  }
0x33: {  	[hbm4b:s9+s4] =	stream.linear.scatter [tilespmem:s7], [sflag:$0x2], $0x4000, $0x38;
	[tilespmem:$0x4080] =	vst v63  }
0x34: {  	_ =	swait.ge [sflag:s5], $0x4000  }
0x35: {  	[sflag:s5] =	ssyncset.done $0x0  }
0x36: {  	[sflag:s5] =	ssyncadd.s32 $0xFFFFC000  }
0x37: {  	[tilespmem:s11], [sflag:$0x2] =	stream.linear.gather @!p0 [hbm4b:s10+s11], $0x80, $0x38;
	[tilespmem:$0x4080] =	vst v63  }
0x38: {  	_ =	swait.ge @!p0 [sflag:s12], $0x80  }
0x39: {  	[sflag:s12] =	ssyncset.done @!p0 $0x0  }
0x3a: {  	[sflag:s12] =	ssyncadd.s32 @!p0 $0xFFFFFF80  }
0x3b: {  	[tilespmem:s13], [sflag:$0x1] =	stream.indirect.gather @!p0 [hbm4b:s2+s13], $0x80, s11, s13, $0xb8;
	[tilespmem:$0x4080] =	vst v63  }
0x3c: {  	_ =	swait.ge @!p0 [sflag:s14], $0x4000  }
0x3d: {  	[sflag:s14] =	ssyncset.done @!p0 $0x0  }
0x3e: {  	[sflag:s14] =	ssyncadd.s32 @!p0 $0xFFFFC000  }
0x3f: {  	[hbm4b:s15+s11] =	stream.linear.scatter @!p0 [tilespmem:s13], [sflag:$0x2], $0x4000, $0x38;
	[tilespmem:$0x4080] =	vst v63  }
0x40: {  	_ =	swait.ge @!p0 [sflag:s12], $0x4000  }
0x41: {  	[sflag:s12] =	ssyncset.done @!p0 $0x0  }
0x42: {  	[sflag:s12] =	ssyncadd.s32 @!p0 $0xFFFFC000  }
0x43: {  	[tilespmem:s4], [sflag:$0x2] =	stream.linear.gather [hbm4b:s16+s4], $0x80, $0x38;
	[tilespmem:$0x4080] =	vst v63  }
0x44: {  	_ =	swait.ge [sflag:s5], $0x80  }
0x45: {  	[sflag:s5] =	ssyncset.done $0x0  }
0x46: {  	[sflag:s5] =	ssyncadd.s32 $0xFFFFFF80  }
0x47: {  	[tilespmem:s7], [sflag:$0x1] =	stream.indirect.gather [hbm4b:s3+s7], $0x80, s4, s7, $0xb8;
	[tilespmem:$0x4080] =	vst v63  }
0x48: {  	_ =	swait.ge [sflag:s8], $0x4000  }
.Ltmp1:
0x49: {  	[sflag:s8] =	ssyncset.done $0x0;
	(pc) =	sbr.rel @p1 .LBB2_1-.Ltmp1, $4  }
0x4a: {  	[sflag:s8] =	ssyncadd.s32 $0xFFFFC000  }
0x4b: {  	[hbm4b:s17+s4] =	stream.linear.scatter [tilespmem:s7], [sflag:$0x2], $0x4000, $0x38;
	[tilespmem:$0x4080] =	vst v63  }
0x4c: {  	_ =	swait.ge [sflag:s5], $0x4000  }
0x4d: {  	[sflag:s5] =	ssyncset.done $0x0  }
.LBB2_2:
0x4e: {  	[sflag:s5] =	ssyncadd.s32 $0xFFFFC000  }
0x4f: {  	_ =	sfence.sel $0x180000  }
0x50: {  	[bflag:$0x0] =	sbarrier.arrive $0xFFFF  }
0x51: {  	p0 =	sne.s32 s1, $0x0;
	_ =	strace $0x90000047  }
0x52: {  	s0 =	sadd.s32 @!p0 $0x100000, s0;
	[bflag:$0x2] =	sbarrier.arrive $0xFFFF  }
0x53: {  	[sflag:s0] =	ssyncadd.tile.s32 @!p0 $0x1;
	_ =	shalt  }
.Lfunc_end2:
_tile_overlayer_lowered:
.L_overlay_start_2:
0x54: {  	(tag) =	ssettag $0x2  }
0x55: {  	s0 =	rddreg [dreg:$0x0];
	s2 =	stileid.u32  }
0x56: {  	s1 =	rddreg [dreg:$0x1];
	p0 =	sne.s32 s2, $0x0  }
0x57: {  	s3 =	rddreg [dreg:$0x2];
	[bflag:$0x3] =	sbarrier.arrive $0xFFFF;
	s2 =	simm.s32 @!p0 $0x1C02  }
0x58: {  	[timem:s3], [sflag:s2] =	dma.local @!p0 [hbm:s0], s1  }
0x59: {  	s0 =	simm.s32 @!p0 $0x2  }
0x5a: {  	_ =	swait.ge @!p0 [sflag:s0], s1  }
0x5b: {  	s1 =	ssub.s32 @!p0 $0x0, s1;
	[sflag:s0] =	ssyncset.done @!p0 $0x0  }
0x5c: {  	[sflag:s0] =	ssyncadd.s32 @!p0 s1  }
0x5d: {  	[bflag:$0x3] =	sbarrier.arrive $0xFFFF  }
0x5e: {  	_ =	shalt  }

// kernel: kernel.8.cloned.1.call-start
scs
__scs_entry_jumppad:
0x0: {  	(pc) =	sbr.rel $0x88, $3  }
0x1: {  	(tag) =	ssettag $0x0;
	lr =	simm.s32 $0x1  }
0x2: {  	[smem:$0x3F99] =	sst lr;
	_ =	strace $0xD0000000  }
0x3: {  	_ = 	snop  }
0x4: {  	_ = 	snop  }
0x5: {  	_ = 	snop  }
0x6: {  	_ = 	snop  }
0x7: {  	_ = 	snop  }
__scs_overlays_trampoline_lowered:
0x8: {  	[smem:$0x3FA8] =	sst s0  }
0x9: {  	[smem:$0x3FA9] =	sst s1  }
0xa: {  	[smem:$0x3FAA] =	sst s2  }
0xb: {  	[smem:$0x3FAB] =	sst s3  }
0xc: {  	[smem:$0x3FAC] =	sst s4  }
0xd: {  	[smem:$0x3FAD] =	sst s5  }
0xe: {  	[smem:$0x3FAE] =	sst s6  }
0xf: {  	[smem:$0x3FAF] =	sst s7  }
0x10: {  	[smem:$0x3FB0] =	sst s8  }
0x11: {  	[smem:$0x3FB1] =	sst s9;
	s0 =	simm.s32 @!p0 $0x0  }
0x12: {  	s1 =	sld [smem:$0x3F97];
	s0 =	simm.s32 @p0 $0x1  }
0x13: {  	[smem:$0x3FB2] =	sst s0;
	s0 =	simm.s32 @!p1 $0x0  }
0x14: {  	s2 =	sld [smem:$0x3F96];
	s0 =	simm.s32 @p1 $0x1  }
0x15: {  	[smem:$0x3FB3] =	sst s0;
	s0 =	simm.s32 @!p2 $0x0  }
0x16: {  	s3 =	sld [smem:$0x3FDB];
	s0 =	simm.s32 @p2 $0x1  }
0x17: {  	s4 =	simm.s32 $0x1BF5;
	[smem:$0x3FB5] =	sst s0  }
0x18: {  	s0 =	sld [smem:$0x3F98];
	_ =	swait.ge [sflag:s4], $0x0  }
0x19: {  	s7 =	sld [smem:$0x3F99]  }
0x1a: {  	s8 =	sadd.s32 $0xFFFFE003, lr  }
0x1b: {  	s9 =	sadd.s32 $0xFFFFFEF7, lr;
	s5 =	simm.s32 $0xFFFFFFFF;
	p2 =	slt.u32 s8, $0xFFFFF086  }
0x1c: {  	p1 =	slt.u32 s9, $0xF7A;
	s5 =	simm.s32 @!p2 $0x0  }
0x1d: {  	s5 =	simm.s32 @p1 $0x1;
	p0 =	seq.s32 s7, s2  }
0x1e: {  	s7 =	smul.u32 @!p0 $0xF7A, s2;
	p2 =	seq.s32 @!p0 s5, $0x0  }
0x1f: {  	s9 =	smul.u32 $0xF7A, s1;
	s8 =	simm.s32 @!p0 $0x1BF5;
	p2 =	por !p2, p0  }
0x20: {  	[sflag:s8] =	ssyncset.s32 @!p0 $0xFFFFF086;
	s6 =	sadd.s32 @!p0 s3, s7;
	s7 =	simm.s32 @!p0 $0x108  }
0x21: {  	s3 =	sadd.s32 s3, s9;
	s6 =	sadd.s32 @!p0 $0x88, s6;
	s7 =	simm.s32 @p2 $0x1082  }
0x22: {  	[simem:s7], [sflag:s8] =	dma.local @!p0 [hbm:s6], $0xF7A  }
0x23: {  	s9 =	sor.u32 $0xD0000000, s2;
	s6 =	simm.s32 $0x108;
	_ =	swait.ge @!p0 [sflag:s8], $0x0  }
0x24: {  	s3 =	sadd.s32 $0x88, s3;
	s6 =	simm.s32 @!p1 $0x1082;
	[sflag:s4] =	ssyncset.s32 $0xFFFFF086  }
0x25: {  	[simem:s6], [sflag:s4] =	dma.local [hbm:s3], $0xF7A  }
0x26: {  	[smem:$0x3F99] =	sst s1;
	(tag) =	ssettag s2;
	_ =	strace s9  }
0x27: {  	s1 =	sld [smem:$0x3FA9]  }
0x28: {  	s2 =	sld [smem:$0x3FAA]  }
0x29: {  	s4 =	sld [smem:$0x3FAC]  }
0x2a: {  	p0 =	seq.s32 s5, $0x0;
	s5 =	sld [smem:$0x3FAD]  }
0x2b: {  	s6 =	sld [smem:$0x3FAE]  }
0x2c: {  	s7 =	sld [smem:$0x3FAF]  }
0x2d: {  	s3 =	simm.s32 $0x108;
	s8 =	sld [smem:$0x3FB0]  }
0x2e: {  	s3 =	simm.s32 @!p0 $0x1082;
	s9 =	sld [smem:$0x3FB1]  }
0x2f: {  	lr =	sadd.s32 s0, s3;
	s0 =	sld [smem:$0x3FA8]  }
0x30: {  	s3 =	sld [smem:$0x3FAB]  }
0x31: {  	[smem:$0x3FB4] =	sst s10  }
0x32: {  	s10 =	sld [smem:$0x3FB2];
	_ =	sdelay $0x3  }
0x33: {  	p0 =	seq.s32 s10, $0x1;
	s10 =	sld [smem:$0x3FB4];
	_ =	sdelay $0x3  }
0x34: {  	[smem:$0x3FB4] =	sst s10  }
0x35: {  	s10 =	sld [smem:$0x3FB3];
	_ =	sdelay $0x3  }
0x36: {  	p1 =	seq.s32 s10, $0x1;
	s10 =	sld [smem:$0x3FB4];
	_ =	sdelay $0x3  }
0x37: {  	[smem:$0x3FB4] =	sst s10  }
0x38: {  	s10 =	sld [smem:$0x3FB5]  }
0x39: {  	_ = 	snop;
	(pc) =	sbr.ind lr, $3  }
0x3a: {  	_ = 	snop  }
0x3b: {  	_ = 	snop  }
0x3c: {  	p2 =	seq.s32 s10, $0x1;
	s10 =	sld [smem:$0x3FB4]  }
0x3d: {  	_ =	shalt  }
0x3e: {  	_ =	shalt  }
0x3f: {  	_ =	shalt  }
0x40: {  	_ =	shalt  }
0x41: {  	_ =	shalt  }
0x42: {  	_ =	shalt  }
0x43: {  	_ =	shalt  }
0x44: {  	_ =	shalt  }
0x45: {  	_ =	shalt  }
0x46: {  	_ =	shalt  }
0x47: {  	_ =	shalt  }
0x48: {  	_ =	shalt  }
0x49: {  	_ =	shalt  }
0x4a: {  	_ =	shalt  }
0x4b: {  	_ =	shalt  }
0x4c: {  	_ =	shalt  }
0x4d: {  	_ =	shalt  }
0x4e: {  	_ =	shalt  }
0x4f: {  	_ =	shalt  }
0x50: {  	_ =	shalt  }
0x51: {  	_ =	shalt  }
0x52: {  	_ =	shalt  }
0x53: {  	_ =	shalt  }
0x54: {  	_ =	shalt  }
0x55: {  	_ =	shalt  }
0x56: {  	_ =	shalt  }
0x57: {  	_ =	shalt  }
0x58: {  	_ =	shalt  }
0x59: {  	_ =	shalt  }
0x5a: {  	_ =	shalt  }
0x5b: {  	_ =	shalt  }
0x5c: {  	_ =	shalt  }
0x5d: {  	_ =	shalt  }
0x5e: {  	_ =	shalt  }
0x5f: {  	_ =	shalt  }
0x60: {  	_ =	shalt  }
0x61: {  	_ =	shalt  }
0x62: {  	_ =	shalt  }
0x63: {  	_ =	shalt  }
0x64: {  	_ =	shalt  }
0x65: {  	_ =	shalt  }
0x66: {  	_ =	shalt  }
0x67: {  	_ =	shalt  }
0x68: {  	_ =	shalt  }
0x69: {  	_ =	shalt  }
0x6a: {  	_ =	shalt  }
0x6b: {  	_ =	shalt  }
0x6c: {  	_ =	shalt  }
0x6d: {  	_ =	shalt  }
0x6e: {  	_ =	shalt  }
0x6f: {  	_ =	shalt  }
0x70: {  	_ =	shalt  }
0x71: {  	_ =	shalt  }
0x72: {  	_ =	shalt  }
0x73: {  	_ =	shalt  }
0x74: {  	_ =	shalt  }
0x75: {  	_ =	shalt  }
0x76: {  	_ =	shalt  }
0x77: {  	_ =	shalt  }
0x78: {  	_ =	shalt  }
0x79: {  	_ =	shalt  }
0x7a: {  	_ =	shalt  }
0x7b: {  	_ =	shalt  }
0x7c: {  	_ =	shalt  }
0x7d: {  	_ =	shalt  }
0x7e: {  	_ =	shalt  }
0x7f: {  	_ =	shalt  }
0x80: {  	_ =	shalt  }
0x81: {  	_ =	shalt  }
0x82: {  	_ =	shalt  }
0x83: {  	_ =	shalt  }
0x84: {  	_ =	shalt  }
0x85: {  	_ =	shalt  }
0x86: {  	_ =	shalt  }
0x87: {  	_ =	shalt  }
.Lfunc_end0:
.L_simem_size_0:
called_computation.1_lowered:
.L_overlay_start_0:
0x88: {  	s2 =	sld [smem:$0x3FD9]  }
0x89: {  	s3 =	sld [smem:$0x3FFE];
	_ =	sdelay $0x1  }
0x8a: {  	s1 =	srdreg.scid  }
0x8b: {  	s0 =	sand.u32 $0x1, s1  }
0x8c: {  	s17 =	sshll.u32 s0, $0xA;
	s2 =	sadd.s32 s3, s2  }
0x8d: {  	s2 =	sadd.s32 s2, s17  }
0x8e: {  	[smem:$0x3FC0] =	sst s2  }
0x8f: {  	_ = 	snop  }
0x90: {  	s2 =	sld [smem:$0x3FD0];
	(tm) =	ssettm $0x1  }
0x91: {  	s18 =	sld [smem:$0x3FFB];
	_ =	sdelay $0x3  }
0x92: {  	_ =	strace s18  }
0x93: {  	s3 =	sld [smem:$0x3FFC];
	_ =	sdelay $0x3  }
0x94: {  	_ =	strace s3  }
0x95: {  	s3 =	sld [smem:$0x3FFD];
	_ =	sdelay $0x3  }
0x96: {  	_ =	strace s3  }
0x97: {  	_ =	strace $0x8FFFFFFF  }
0x98: {  	s19 =	sld [smem:$0x3FDB];
	_ =	sdelay $0x1  }
0x99: {  	s4 =	simm.s32 $_scs_section_size  }
0x9a: {  	s5 =	simm.s32 $_size__tile_overlayer_lowered;
	s6 =	simm.s32 $_tile_overlayer_lowered  }
0x9b: {  	s22 =	simm.s32 $0x1BFF;
	s21 =	sshll.u32 s6, $0x1;
	s3 =	sadd.s32 s4, s19  }
0x9c: {  	s7 =	simm.s32 $0x0;
	s20 =	sshll.u32 s5, $0x1;
	s5 =	sadd.s32 s21, s3  }
0x9d: {  	[timem:s7], [sflag:s22] =	dma.local [hbm:s5], s20  }
0x9e: {  	_ =	swait.ge [sflag:s22], s20  }
0x9f: {  	s4 =	ssub.s32 $0x0, s20;
	[sflag:s22] =	ssyncset.done $0x0  }
0xa0: {  	[sflag:s22] =	ssyncadd.s32 s4;
	_ =	sdelay $0x1  }
0xa1: {  	s23 =	simm.s32 $0x1B8B  }
0xa2: {  	_ =	swait.ge [sflag:s23], $0x1  }
0xa3: {  	[sflag:s23] =	ssyncset.done $0x0  }
0xa4: {  	s25 =	simm.s32 $0x1B8E;
	s24 =	sld [smem:$0x3FFE];
	[sflag:s23] =	ssyncadd.s32 $0xFFFFFFFF  }
0xa5: {  	s26 =	simm.s32 $execute0_lowered;
	[smem:$0x3FD2] =	sst s25  }
0xa6: {  	s5 =	sshll.u32 s26, $0x1;
	_ =	strace $0x80000049;
	[dreg:$0x1] =	wrdreg $0xFFFFFFFF  }
0xa7: {  	s28 =	simm.s32 $_size_execute0_lowered;
	s3 =	sadd.s32 s3, s5;
	[dreg:$0x0] =	wrdreg $0x0  }
0xa8: {  	s5 =	sshll.u32 s28, $0x1;
	[dreg:$0x2] =	wrdreg s3  }
0xa9: {  	[dreg:$0x3] =	wrdreg s5  }
0xaa: {  	[dreg:$0x4] =	wrdreg $0xC0  }
0xab: {  	_ =	task [dreg:s7], $0x5FFFF  }
0xac: {  	[dreg:$0x1] =	wrdreg $0xFFFFFFFF  }
0xad: {  	[dreg:$0x0] =	wrdreg $0x60  }
0xae: {  	[dreg:$0x2] =	wrdreg s24  }
0xaf: {  	[dreg:$0x3] =	wrdreg s2  }
0xb0: {  	[dreg:$0x4] =	wrdreg $0xA9800  }
0xb1: {  	[dreg:$0x5] =	wrdreg $0x1E9800  }
0xb2: {  	[dreg:$0x6] =	wrdreg $0x9  }
0xb3: {  	_ =	task.clear_ibuf [dreg:s7], $0x7FFFF;
	_ =	strace $0x90000049  }
0xb4: {  	s29 =	simm.s32 $0x9;
	_ =	strace $0x8000004B  }
0xb5: {  	_ =	swait.ge [sflag:s29], $0x1  }
0xb6: {  	[sflag:s29] =	ssyncadd.s32 $0xFFFFFFFF  }
0xb7: {  	_ =	strace $0x9000004B  }
0xb8: {  	_ =	sfence  }
0xb9: {  	s30 =	sld [smem:$0x0];
	_ =	sdelay $0x2  }
0xba: {  	s31 =	sshll.u32 s1, $0xD;
	s1 =	sshrl.u32 s1, $0x2  }
0xbb: {  	s3 =	sand.u32 $0x4000, s31;
	s1 =	sadd.s32 s1, s30  }
0xbc: {  	s0 =	sor.u32 s3, s0;
	s1 =	sshll.u32 s1, $0x11  }
0xbd: {  	s0 =	sor.u32 s1, s0  }
0xbe: {  	s0 =	sadd.s32 $0x8F2B, s0  }
0xbf: {  	[sflag:s0] =	ssyncadd.remote.s32 $0x1  }
0xc0: {  	_ =	sfence.sel $0xFFFF  }
0xc1: {  	[dreg:$0x0] =	wrdreg $0xFFFFFFFF;
	(pc) =	sbr.abs _section_cstart, $3  }
0xc2: {  	[dreg:$0x1] =	wrdreg $0xFFFFFFFF  }
0xc3: {  	_ =	task.clear_ibuf [dreg:s7], $0x2FFFF;
	_ =	strace $0x9FFFFFFF  }
0xc4: {  	(tm) =	ssettm $0x7FFFFFFF  }
0xc5: {  	_ =	shalt  }
tec
execute0_lowered:
.L_overlay_start_1:
0x0: {  	(tag) =	ssettag $0x1  }
0x1: {  	s0 =	rddreg [dreg:$0x0]  }
0x2: {  	s3 =	rddreg [dreg:$0x1]  }
0x3: {  	s1 =	rddreg [dreg:$0x2]  }
0x4: {  	s2 =	rddreg [dreg:$0x3]  }
0x5: {  	s4 =	srdreg.scid;
	s15 =	stileid.u32;
	s28 =	simm.s32 $0x7  }
0x6: {  	s29 =	simm.s32 $0x2;
	s30 =	simm.s32 $0x8;
	s31 =	simm.s32 $0x3  }
0x7: {  	s7 =	sand.u32 $0x1, s4;
	s4 =	simm.s32 $0x0;
	s9 =	smul.u32 $0x14000, s15  }
0x8: {  	s5 =	sadd.s32 $0x1800, s0;
	s11 =	smul.u32 $0x280, s15;
	s6 =	sadd.s32 $0x29800, s0  }
0x9: {  	s10 =	sadd.s32 $0x1200, s0;
	s16 =	sadd.s32 $0x33800, s0;
	s17 =	sadd.s32 $0x1400, s0  }
0xa: {  	s21 =	sshll.u32 s15, $0x6;
	s22 =	smul.u32 $0x500, s15;
	[smem:$0x7FF] =	sst s4  }
0xb: {  	s8 =	smul.u32 $0x140000, s7;
	_ =	strace $0x8000004A;
	[dreg:$0x6] =	wrdreg s10  }
0xc: {  	s14 =	smul.u32 $0x2800, s7;
	s18 =	ssub.s32 $0x2, s7;
	[dreg:$0x7] =	wrdreg s16  }
0xd: {  	s12 =	sshll.u32 s7, $0x4;
	s7 =	smul.u32 $0x5000, s7;
	[dreg:$0x8] =	wrdreg s17  }
0xe: {  	s13 =	sshrl.u32 s18, $0x1;
	s12 =	sor.u32 s15, s12;
	s10 =	sor.u32 $0x1C09, s21  }
0xf: {  	s8 =	sadd.s32 s9, s8;
	s9 =	sadd.s32 s11, s14;
	s14 =	smul.u32 $0x50000, s15  }
0x10: {  	s21 =	simm.s32 $0x2800;
	s19 =	ssub.s32 s18, s13;
	s12 =	smul.u32 $0x500, s12  }
0x11: {  	s11 =	sadd.s32 s11, s2;
	s25 =	sadd.s32 s22, s7;
	s18 =	simm.s32 $0x9  }
0x12: {  	s22 =	simm.s32 $0x80;
	s7 =	simm.s32 $0x6;
	s8 =	sshrl.u32 s8, $0x3  }
0x13: {  	s9 =	sshrl.u32 s9, $0x3;
	s26 =	smax.u32 s19, $0x1;
	[dreg:$0x5] =	wrdreg s25  }
0x14: {  	s19 =	sshrl.u32 s11, $0x3;
	s25 =	simm.s32 $0x6900;
	s8 =	sadd.s32 s8, s0  }
0x15: {  	s0 =	sadd.s32 s9, s0;
	s20 =	sshrl.u32 s14, $0x2;
	s3 =	sadd.s32 s3, s12  }
0x16: {  	s12 =	sadd.s32 s6, s12;
	[dreg:$0xd] =	wrdreg s26;
	s26 =	simm.s32 $0x1  }
0x17: {  	s17 =	sadd.s32 s20, s1;
	[dreg:$0x9] =	wrdreg s3;
	s23 =	sadd.s32 $0x10, s12  }
0x18: {  	s24 =	sadd.s32 $0x36A00, s8;
	s0 =	sadd.s32 $0x36000, s0;
	[dreg:$0xa] =	wrdreg s23  }
0x19: {  	s20 =	simm.s32 $0xA900;
	s3 =	simm.s32 $0x4;
	[dreg:$0xb] =	wrdreg s24  }
0x1a: {  	s8 =	simm.s32 $0x0;
	[dreg:$0xc] =	wrdreg s0;
	s17 =	sshrl.u32 s17, $0x3  }
0x1b: {  	s23 =	simm.s32 $0x2900;
	s24 =	simm.s32 $0x2880;
	s0 =	simm.s32 $0x5  }
.LBB2_1:
0x1c: {  	s9 =	rddreg [dreg:$0x7]  }
0x1d: {  	[spmem:s17], [sflag:s10] =	dma.local [hbm:s9], $0x2800  }
0x1e: {  	_ =	swait.ge [sflag:s18], $0x2800  }
0x1f: {  	[sflag:s18] =	ssyncset.done $0x0  }
0x20: {  	s15 =	rddreg [dreg:$0x8];
	[sflag:s18] =	ssyncadd.s32 $0xFFFFD800  }
0x21: {  	[spmem:s19], [sflag:s10] =	dma.local [hbm:s15], $0x50  }
0x22: {  	_ =	swait.ge [sflag:s18], $0x50  }
0x23: {  	[sflag:s18] =	ssyncset.done $0x0  }
0x24: {  	s16 =	rddreg [dreg:$0x9];
	[sflag:s18] =	ssyncadd.s32 $0xFFFFFFB0  }
0x25: {  	[tilespmem:s4], [sflag:$0x9] =	stream.linear.gather [hbm4b:s16+s4], $0x2800, $0x38;
	[tilespmem:$0x1EC00] =	vst v63  }
0x26: {  	_ =	swait.ge [sflag:s18], $0x2800  }
0x27: {  	[sflag:s18] =	ssyncset.done $0x0  }
0x28: {  	s11 =	rddreg [dreg:$0x6];
	[sflag:s18] =	ssyncadd.s32 $0xFFFFD800  }
0x29: {  	[tilespmem:s20], [sflag:$0x9] =	stream.linear.gather [hbm4b:s11+s4], $0x80, $0x38;
	[tilespmem:$0x1EC00] =	vst v63  }
0x2a: {  	_ =	swait.ge [sflag:s18], $0x80  }
0x2b: {  	[sflag:s18] =	ssyncset.done $0x0  }
0x2c: {  	[sflag:s18] =	ssyncadd.s32 $0xFFFFFF80  }
0x2d: {  	[tilespmem:s21], [sflag:$0x7] =	stream.linear.gather [hbm4b:s12+s4], $0x80, $0x38;
	[tilespmem:$0x1EC00] =	vst v63  }
0x2e: {  	_ = 	snop  }
0x2f: {  	[tilespmem:s23], [sflag:$0x1] =	stream.indirect.gather [hbm4b:s5+s22], $0x80, s4, s22, $0xb8;
	[tilespmem:$0x1EC00] =	vst v63  }
0x30: {  	s13 =	rddreg [dreg:$0xa]  }
0x31: {  	[tilespmem:s24], [sflag:$0x8] =	stream.linear.gather [hbm4b:s13+s4], $0x80, $0x38;
	[tilespmem:$0x1EC00] =	vst v63  }
0x32: {  	_ = 	snop  }
0x33: {  	[tilespmem:s25], [sflag:$0x2] =	stream.indirect.gather [hbm4b:s5+s22], $0x80, s22, s22, $0xb8;
	[tilespmem:$0x1EC00] =	vst v63  }
0x34: {  	[bflag:$0x0] =	sbarrier.arrive $0xFFFF  }
0x35: {  	_ =	swait.ge [sflag:s26], $0x4000  }
0x36: {  	[sflag:s26] =	ssyncset.done $0x0  }
0x37: {  	[sflag:s26] =	ssyncadd.s32 $0xFFFFC000  }
0x38: {  	_ =	swait.ge [sflag:s28], $0x80  }
0x39: {  	[sflag:s28] =	ssyncset.done $0x0  }
0x3a: {  	[sflag:s28] =	ssyncadd.s32 $0xFFFFFF80  }
0x3b: {  	[spmem:s1] =	stream.indirect.scatter.add.f32 [tilespmem:s23], [sflag:$0x3], $0x80, s21, s22, $0xb8;
	[tilespmem:$0x1EC00] =	vst v63  }
0x3c: {  	_ = 	snop  }
0x3d: {  	[spmem:s2] =	stream.indirect.scatter.add.f32 [tilespmem:s20], [sflag:$0x5], $0x1, s21, s22, $0xb8;
	[tilespmem:$0x1EC00] =	vst v63  }
0x3e: {  	_ =	swait.ge [sflag:s29], $0x4000  }
0x3f: {  	[sflag:s29] =	ssyncset.done $0x0  }
0x40: {  	[sflag:s29] =	ssyncadd.s32 $0xFFFFC000  }
0x41: {  	_ =	swait.ge [sflag:s30], $0x80  }
0x42: {  	[sflag:s30] =	ssyncset.done $0x0  }
0x43: {  	[sflag:s30] =	ssyncadd.s32 $0xFFFFFF80  }
0x44: {  	[spmem:s1] =	stream.indirect.scatter.add.f32 [tilespmem:s25], [sflag:$0x4], $0x80, s24, s22, $0xb8;
	[tilespmem:$0x1EC00] =	vst v63  }
0x45: {  	_ = 	snop  }
0x46: {  	[spmem:s2] =	stream.indirect.scatter.add.f32 [tilespmem:s20], [sflag:$0x6], $0x1, s24, s22, $0xb8;
	[tilespmem:$0x1EC00] =	vst v63  }
0x47: {  	_ =	swait.ge [sflag:s31], $0x4000  }
0x48: {  	[sflag:s31] =	ssyncset.done $0x0  }
0x49: {  	[sflag:s31] =	ssyncadd.s32 $0xFFFFC000  }
0x4a: {  	_ =	swait.ge [sflag:s0], $0x80  }
0x4b: {  	s14 =	rddreg [dreg:$0x5]  }
0x4c: {  	s11 =	simm.s32 $0x20;
	s9 =	sadd.s32 $0x30, s14  }
0x4d: {  	s11 =	sand.u32 $0x60, s11;
	s13 =	sadd.s32 $0xFFFFFFF0, s9  }
0x4e: {  	s11 =	sadd.s32 s6, s11;
	[sflag:s0] =	ssyncset.done $0x0;
	s13 =	sand.u32 $0xFFFFF80, s13  }
0x4f: {  	[sflag:s0] =	ssyncadd.s32 $0xFFFFFF80;
	s11 =	sadd.s32 s13, s11  }
0x50: {  	[tilespmem:s21], [sflag:$0x7] =	stream.linear.gather [hbm4b:s11+s4], $0x80, $0x38;
	[tilespmem:$0x1EC00] =	vst v63  }
0x51: {  	s15 =	simm.s32 $0x100  }
0x52: {  	[tilespmem:s23], [sflag:$0x1] =	stream.indirect.gather [hbm4b:s5+s22], $0x80, s15, s22, $0xb8;
	[tilespmem:$0x1EC00] =	vst v63  }
0x53: {  	_ =	swait.ge [sflag:s3], $0x4000  }
0x54: {  	[sflag:s3] =	ssyncset.done $0x0  }
0x55: {  	s16 =	simm.s32 $0x30;
	[sflag:s3] =	ssyncadd.s32 $0xFFFFC000  }
0x56: {  	s11 =	sand.u32 $0x70, s16;
	_ =	swait.ge [sflag:s7], $0x80  }
0x57: {  	s9 =	sand.u32 $0xFFFFF80, s9;
	s11 =	sadd.s32 s6, s11;
	[sflag:s7] =	ssyncset.done $0x0  }
0x58: {  	s9 =	sadd.s32 s9, s11;
	[sflag:s7] =	ssyncadd.s32 $0xFFFFFF80  }
0x59: {  	[tilespmem:s24], [sflag:$0x8] =	stream.linear.gather [hbm4b:s9+s4], $0x80, $0x38;
	[tilespmem:$0x1EC00] =	vst v63  }
0x5a: {  	s13 =	simm.s32 $0x180;
	s11 =	simm.s32 $0x200;
	s9 =	simm.s32 $0x50  }
.LBB2_2:
0x5b: {  	[tilespmem:s25], [sflag:$0x2] =	stream.indirect.gather [hbm4b:s5+s22], $0x80, s13, s22, $0xb8;
	[tilespmem:$0x1EC00] =	vst v63  }
0x5c: {  	_ =	swait.ge [sflag:s26], $0x4000  }
0x5d: {  	[sflag:s26] =	ssyncset.done $0x0  }
0x5e: {  	[sflag:s26] =	ssyncadd.s32 $0xFFFFC000  }
0x5f: {  	_ =	swait.ge [sflag:s28], $0x80  }
0x60: {  	[sflag:s28] =	ssyncset.done $0x0  }
0x61: {  	[sflag:s28] =	ssyncadd.s32 $0xFFFFFF80  }
0x62: {  	[spmem:s1] =	stream.indirect.scatter.add.f32 [tilespmem:s23], [sflag:$0x3], $0x80, s21, s22, $0xb8;
	[tilespmem:$0x1EC00] =	vst v63  }
0x63: {  	_ = 	snop  }
0x64: {  	[spmem:s2] =	stream.indirect.scatter.add.f32 [tilespmem:s20], [sflag:$0x5], $0x1, s21, s22, $0xb8;
	[tilespmem:$0x1EC00] =	vst v63  }
0x65: {  	_ =	swait.ge [sflag:s29], $0x4000  }
0x66: {  	[sflag:s29] =	ssyncset.done $0x0  }
0x67: {  	[sflag:s29] =	ssyncadd.s32 $0xFFFFC000  }
0x68: {  	_ =	swait.ge [sflag:s30], $0x80  }
0x69: {  	[sflag:s30] =	ssyncset.done $0x0  }
0x6a: {  	[sflag:s30] =	ssyncadd.s32 $0xFFFFFF80  }
0x6b: {  	[spmem:s1] =	stream.indirect.scatter.add.f32 [tilespmem:s25], [sflag:$0x4], $0x80, s24, s22, $0xb8;
	[tilespmem:$0x1EC00] =	vst v63  }
0x6c: {  	_ = 	snop  }
0x6d: {  	[spmem:s2] =	stream.indirect.scatter.add.f32 [tilespmem:s20], [sflag:$0x6], $0x1, s24, s22, $0xb8;
	[tilespmem:$0x1EC00] =	vst v63  }
0x6e: {  	_ =	swait.ge [sflag:s31], $0x4000  }
0x6f: {  	[sflag:s31] =	ssyncset.done $0x0  }
0x70: {  	[sflag:s31] =	ssyncadd.s32 $0xFFFFC000  }
0x71: {  	_ =	swait.ge [sflag:s0], $0x80  }
0x72: {  	s13 =	smov.u32 s9;
	s14 =	rddreg [dreg:$0x5]  }
0x73: {  	s15 =	sadd.s32 $0xFFFFFFF0, s13;
	s14 =	sadd.s32 s13, s14  }
0x74: {  	s15 =	sand.u32 $0x60, s15;
	s16 =	sadd.s32 $0xFFFFFFF0, s14  }
0x75: {  	s15 =	sadd.s32 s6, s15;
	[sflag:s0] =	ssyncset.done $0x0;
	s16 =	sand.u32 $0xFFFFF80, s16  }
0x76: {  	[sflag:s0] =	ssyncadd.s32 $0xFFFFFF80;
	s15 =	sadd.s32 s16, s15  }
0x77: {  	[tilespmem:s21], [sflag:$0x7] =	stream.linear.gather [hbm4b:s15+s4], $0x80, $0x38;
	[tilespmem:$0x1EC00] =	vst v63  }
0x78: {  	_ = 	snop  }
0x79: {  	[tilespmem:s23], [sflag:$0x1] =	stream.indirect.gather [hbm4b:s5+s22], $0x80, s11, s22, $0xb8;
	[tilespmem:$0x1EC00] =	vst v63  }
0x7a: {  	_ =	swait.ge [sflag:s3], $0x4000  }
0x7b: {  	[sflag:s3] =	ssyncset.done $0x0  }
0x7c: {  	p0 =	sne.s32 s9, $0x4F0;
	[sflag:s3] =	ssyncadd.s32 $0xFFFFC000  }
.Ltmp0:
0x7d: {  	s13 =	sand.u32 $0x70, s13;
	_ =	swait.ge [sflag:s7], $0x80;
	(pc) =	sbr.rel @p0 .LBB2_2-.Ltmp0, $4  }
0x7e: {  	s14 =	sand.u32 $0xFFFFF80, s14;
	s13 =	sadd.s32 s6, s13;
	[sflag:s7] =	ssyncset.done $0x0  }
0x7f: {  	s13 =	sadd.s32 s14, s13;
	[sflag:s7] =	ssyncadd.s32 $0xFFFFFF80  }
0x80: {  	[tilespmem:s24], [sflag:$0x8] =	stream.linear.gather [hbm4b:s13+s4], $0x80, $0x38;
	[tilespmem:$0x1EC00] =	vst v63  }
0x81: {  	s9 =	sadd.s32 $0x20, s9;
	s13 =	sadd.s32 $0x80, s11;
	s11 =	sadd.s32 $0x100, s11  }
0x82: {  	[tilespmem:s25], [sflag:$0x2] =	stream.indirect.gather [hbm4b:s5+s22], $0x80, s13, s22, $0xb8;
	[tilespmem:$0x1EC00] =	vst v63  }
0x83: {  	_ =	swait.ge [sflag:s26], $0x4000  }
0x84: {  	[sflag:s26] =	ssyncset.done $0x0  }
0x85: {  	[sflag:s26] =	ssyncadd.s32 $0xFFFFC000  }
0x86: {  	_ =	swait.ge [sflag:s28], $0x80  }
0x87: {  	[sflag:s28] =	ssyncset.done $0x0  }
0x88: {  	[sflag:s28] =	ssyncadd.s32 $0xFFFFFF80  }
0x89: {  	[spmem:s1] =	stream.indirect.scatter.add.f32 [tilespmem:s23], [sflag:$0x9], $0x80, s21, s22, $0xb8;
	[tilespmem:$0x1EC00] =	vst v63  }
0x8a: {  	_ =	swait.ge [sflag:s18], $0x4000  }
0x8b: {  	[sflag:s18] =	ssyncset.done $0x0  }
0x8c: {  	[sflag:s18] =	ssyncadd.s32 $0xFFFFC000  }
0x8d: {  	[spmem:s2] =	stream.indirect.scatter.add.f32 [tilespmem:s20], [sflag:$0x9], $0x1, s21, s22, $0xb8;
	[tilespmem:$0x1EC00] =	vst v63  }
0x8e: {  	_ =	swait.ge [sflag:s18], $0x80  }
0x8f: {  	[sflag:s18] =	ssyncset.done $0x0  }
0x90: {  	[sflag:s18] =	ssyncadd.s32 $0xFFFFFF80  }
0x91: {  	_ =	swait.ge [sflag:s29], $0x4000  }
0x92: {  	[sflag:s29] =	ssyncset.done $0x0  }
0x93: {  	[sflag:s29] =	ssyncadd.s32 $0xFFFFC000  }
0x94: {  	_ =	swait.ge [sflag:s30], $0x80  }
0x95: {  	[sflag:s30] =	ssyncset.done $0x0  }
0x96: {  	[sflag:s30] =	ssyncadd.s32 $0xFFFFFF80  }
0x97: {  	[spmem:s1] =	stream.indirect.scatter.add.f32 [tilespmem:s25], [sflag:$0x9], $0x80, s24, s22, $0xb8;
	[tilespmem:$0x1EC00] =	vst v63  }
0x98: {  	_ =	swait.ge [sflag:s18], $0x4000  }
0x99: {  	[sflag:s18] =	ssyncset.done $0x0  }
0x9a: {  	[sflag:s18] =	ssyncadd.s32 $0xFFFFC000  }
0x9b: {  	[spmem:s2] =	stream.indirect.scatter.add.f32 [tilespmem:s20], [sflag:$0x9], $0x1, s24, s22, $0xb8;
	[tilespmem:$0x1EC00] =	vst v63  }
0x9c: {  	_ =	swait.ge [sflag:s18], $0x80  }
0x9d: {  	[sflag:s18] =	ssyncset.done $0x0  }
0x9e: {  	[sflag:s18] =	ssyncadd.s32 $0xFFFFFF80  }
0x9f: {  	[bflag:$0x0] =	sbarrier.arrive $0xFFFF  }
0xa0: {  	s9 =	rddreg [dreg:$0xb]  }
0xa1: {  	[hbm:s9], [sflag:s10] =	dma.local [spmem:s17], $0x2800  }
0xa2: {  	_ =	swait.ge [sflag:s18], $0x2800  }
0xa3: {  	[sflag:s18] =	ssyncset.done $0x0  }
0xa4: {  	s15 =	rddreg [dreg:$0xc];
	[sflag:s18] =	ssyncadd.s32 $0xFFFFD800  }
0xa5: {  	[hbm:s15], [sflag:s10] =	dma.local [spmem:s19], $0x50  }
0xa6: {  	_ =	swait.ge [sflag:s18], $0x50  }
0xa7: {  	s8 =	sadd.s32 $0x1, s8;
	s16 =	rddreg [dreg:$0xd]  }
0xa8: {  	p0 =	sne.s32 s8, s16  }
.Ltmp1:
0xa9: {  	_ = 	snop;
	(pc) =	sbr.rel @p0 .LBB2_1-.Ltmp1, $3  }
0xaa: {  	_ =	sdelay $0x1  }
0xab: {  	[sflag:s18] =	ssyncset.done $0x0  }
0xac: {  	[sflag:s18] =	ssyncadd.s32 $0xFFFFFFB0  }
0xad: {  	_ =	sfence.sel $0x180000  }
0xae: {  	[bflag:$0x0] =	sbarrier.arrive $0xFFFF  }
0xaf: {  	_ =	strace $0x9000004A  }
0xb0: {  	s0 =	stileid.u32;
	[bflag:$0x2] =	sbarrier.arrive $0xFFFF  }
0xb1: {  	p0 =	sne.s32 s0, $0x0;
	s0 =	rddreg [dreg:$0x4]  }
0xb2: {  	s0 =	sadd.s32 @!p0 $0x100000, s0  }
0xb3: {  	[sflag:s0] =	ssyncadd.tile.s32 @!p0 $0x1;
	_ =	shalt  }
.Lfunc_end2:
_tile_overlayer_lowered:
.L_overlay_start_2:
0xb4: {  	(tag) =	ssettag $0x2  }
0xb5: {  	s0 =	rddreg [dreg:$0x0];
	s2 =	stileid.u32  }
0xb6: {  	s1 =	rddreg [dreg:$0x1];
	p0 =	sne.s32 s2, $0x0  }
0xb7: {  	s3 =	rddreg [dreg:$0x2];
	[bflag:$0x3] =	sbarrier.arrive $0xFFFF;
	s2 =	simm.s32 @!p0 $0x1C09  }
0xb8: {  	[timem:s3], [sflag:s2] =	dma.local @!p0 [hbm:s0], s1  }
0xb9: {  	s0 =	simm.s32 @!p0 $0x9  }
0xba: {  	_ =	swait.ge @!p0 [sflag:s0], s1  }
0xbb: {  	s1 =	ssub.s32 @!p0 $0x0, s1;
	[sflag:s0] =	ssyncset.done @!p0 $0x0  }
0xbc: {  	[sflag:s0] =	ssyncadd.s32 @!p0 s1  }
0xbd: {  	[bflag:$0x3] =	sbarrier.arrive $0xFFFF  }
0xbe: {  	_ =	shalt  }

</sc_bundles>
